<compile_context>
chip_gen: v7x
topology: tpu7x:2x2x1
jax: 0.10.2.dev20260603
libtpu: 0.0.44.dev20260713+nightly
codegen_flags: <defaults>
</compile_context>

<pallas_src>
import functools

import jax
import jax.numpy as jnp
from jax import lax
from jax.experimental import pallas as pl
from jax.experimental.pallas import tpu as pltpu
from jax.experimental.pallas import tpu_sc as plsc

B, H, U, D = 32, 32, 8, 128
RES = 128
CACHE_S = 2 * RES + 1
W = 2 * U
HC = 4
L = 16
BB = 2


def _sc_zero_body(ko_hbm, zbuf, shbuf, zsem):
    sid = lax.axis_index("s")
    b = sid * 2 + lax.axis_index("c")
    zero216 = jnp.zeros((2, L), jnp.bfloat16)

    def zinit(q, carry):
        for h in range(HC):
            for l in range(D // L):
                zbuf[h, pl.ds(2 * q, 2), pl.ds(l * L, L)] = zero216
        return carry

    lax.fori_loop(0, CACHE_S // 2, zinit, 0)
    for h in range(HC):
        for l in range(D // (2 * L)):
            zbuf[h, CACHE_S - 1, pl.ds(l * 2 * L, 2 * L)] = jnp.zeros(
                (2 * L,), jnp.bfloat16)

    @pl.when(sid == 0)
    def _():
        pltpu.sync_copy(zbuf, shbuf)

    plsc.subcore_barrier()

    zcopies = []
    for c in range(H // HC):
        zcopies.append(pltpu.async_copy(
            shbuf, ko_hbm.at[b, pl.ds(c * HC, HC)], zsem))
    for z in zcopies:
        z.wait()


def _v_kernel(offs_ref, vn_ref, vo_ref):
    g = pl.program_id(0)
    j = jax.lax.broadcasted_iota(jnp.int32, (1, H, W, D), 2)
    vo_ref[...] = jnp.zeros_like(vo_ref)
    for i in range(BB):
        off = offs_ref[g * BB + i]
        a = pl.multiple_of((off // U) * U, U)
        r = off - (off // U) * U
        mask = (j >= r) & (j < r + U)
        new2 = jnp.concatenate(
            [vn_ref[i:i + 1], vn_ref[i:i + 1]], axis=2).astype(jnp.float32)
        rolled = pltpu.roll(new2, r, 2)
        win = jnp.where(mask, rolled, 0.0)
        vo_ref[i, :, pl.ds(a, W), :] = win[0].astype(vo_ref.dtype)


def kernel(k_cache_buf, v_cache_buf, k_new, v_new, cache_seqlens, qcache_seqlens):
    offs = (cache_seqlens - qcache_seqlens).astype(jnp.int32)
    dtype = k_cache_buf.dtype

    sc_zero = functools.partial(
        pl.kernel,
        mesh=plsc.VectorSubcoreMesh(core_axis_name="c", subcore_axis_name="s"),
        out_type=[jax.ShapeDtypeStruct((B, H, CACHE_S, D), dtype)],
        scratch_types=[
            pltpu.VMEM((HC, CACHE_S, D), jnp.bfloat16),
            pltpu.VMEM_SHARED((HC, CACHE_S, D), jnp.bfloat16),
            pltpu.SemaphoreType.DMA,
        ],
    )(_sc_zero_body)
    (ko_z,) = sc_zero()

    grid_spec = pltpu.PrefetchScalarGridSpec(
        num_scalar_prefetch=1,
        grid=(B // BB,),
        in_specs=[pl.BlockSpec((BB, H, U, D), lambda g, offs: (g, 0, 0, 0))],
        out_specs=[pl.BlockSpec((BB, H, CACHE_S, D), lambda g, offs: (g, 0, 0, 0))],
    )
    (v_out,) = pl.pallas_call(
        _v_kernel,
        grid_spec=grid_spec,
        out_shape=[jax.ShapeDtypeStruct((B, H, CACHE_S, D), dtype)],
        compiler_params=pltpu.CompilerParams(
            dimension_semantics=("arbitrary",),
        ),
    )(offs, v_new)
    return (ko_z, v_out)

# --- scband reference (transcript-rebuilt; emitter-appended) ---
"""Pipeline reference for scband-kvcache-15857019257359 (READ-ONLY COPY).

The authoritative reference and input builder live on the scoring server;
editing this copy changes nothing except your own understanding.
"""

import jax, jax.numpy as jnp
import numpy as np

B, H, U, D = 32, 32, 8, 128
RES = 128
CACHE_S = 2 * RES + 1  # residual cache length along seq dim


def setup_inputs(seed: int = 0) -> dict:
    key = jax.random.key(seed)
    k1, k2, k3 = jax.random.split(key, 3)
    k_new = jax.random.normal(k1, (B, H, U, D), dtype=jnp.float32).astype(jnp.bfloat16)
    v_new = jax.random.normal(k2, (B, H, U, D), dtype=jnp.float32).astype(jnp.bfloat16)
    cache_seqlens = jax.random.randint(k3, (B,), 0, 200, dtype=jnp.int32)
    qcache_seqlens = jnp.zeros((B,), dtype=jnp.int32)
    # registered buffers (residual fp caches), initialized to zeros as in the module
    k_cache_buf = jnp.zeros((B, H, CACHE_S, D), dtype=jnp.bfloat16)
    v_cache_buf = jnp.zeros((B, H, CACHE_S, D), dtype=jnp.bfloat16)
    return {
        "k_cache_buf": k_cache_buf,
        "v_cache_buf": v_cache_buf,
        "k_new": k_new,
        "v_new": v_new,
        "cache_seqlens": cache_seqlens,
        "qcache_seqlens": qcache_seqlens,
    }


def reference(k_cache_buf, v_cache_buf, k_new, v_new, cache_seqlens, qcache_seqlens):
    # KVCache.update: scatter new k/v into residual cache along seq dim (dim=2)
    # at positions residual_lens + arange(update_len), per batch element.
    residual_lens = cache_seqlens - qcache_seqlens  # (B,)
    b_idx = jnp.arange(B).reshape(B, 1, 1, 1)
    h_idx = jnp.arange(H).reshape(1, H, 1, 1)
    s_idx = jnp.arange(U).reshape(1, 1, U, 1) + residual_lens.reshape(B, 1, 1, 1)
    d_idx = jnp.arange(D).reshape(1, 1, 1, D)
    k_out = k_cache_buf.at[b_idx, h_idx, s_idx, d_idx].set(k_new)
    v_out = v_cache_buf.at[b_idx, h_idx, s_idx, d_idx].set(v_new)
    return (k_out, v_out)

if __name__ == "__main__":
    import jax
    _d = setup_inputs()
    print(jax.jit(kernel)(*tuple(_d.values())))

</pallas_src>

<mosaic_0001>
#map = affine_map<(d0, d1) -> (0, 0, 0, 0)>
module attributes {stable_mosaic.version = 14 : i64} {
  func.func @_sc_zero_body(%arg0: i32, %arg1: i32, %arg2: memref<32x32x257x128xbf16, #tpu.memory_space<hbm>>, %arg3: memref<4x257x128xbf16, #tpu.memory_space<vmem>>, %arg4: memref<4x257x128xbf16, #tpu.memory_space<vmem_shared>>, %arg5: memref<!tpu.dma_semaphore, #tpu.memory_space<semaphore_mem>>) attributes {dimension_semantics = [#tpu.dimension_semantics<core_parallel>, #tpu.dimension_semantics<subcore_parallel>], iteration_bounds = array<i64: 2, 16>, scalar_prefetch = 0 : i64, scratch_operands = 3 : i64, tpu.core_type = #tpu.core_type<sc_vector_subcore>, window_params = [{transform_indices = #map}]} {
    %mul3A = arith.constant 2 : i32
    %mul3A_0 = arith.muli %arg1, %mul3A : i32
    %add3A = arith.addi %mul3A_0, %arg0 : i32
    %broadcast_in_dim3A = arith.constant 0.000000e+00 : bf16
    %broadcast_in_dim3A_1 = vector.broadcast %broadcast_in_dim3A : bf16 to vector<2x16xbf16>
    %scan3A = arith.constant 0 : i32
    %scan3A_2 = arith.constant 0 : i32
    %scan3A_3 = arith.constant 128 : i32
    %scan3A_4 = arith.addi %scan3A_2, %scan3A_3 : i32
    %scan3A_5 = arith.constant 1 : i32
    scf.for %scan3A_246 = %scan3A_2 to %scan3A_4 step %scan3A_5  : i32 {
      %mul3A_247 = arith.constant 2 : i32
      %mul3A_248 = arith.muli %mul3A_247, %scan3A_246 : i32
      %swap3A_249 = arith.constant 0 : i32
      %swap3A_250 = arith.index_cast %swap3A_249 : i32 to index
      %swap3A_251 = arith.index_cast %mul3A_248 : i32 to index
      %swap3A_252 = arith.constant 0 : index
      %swap3A_253 = tpu.vector_load %arg3[%swap3A_250, %swap3A_251, %swap3A_252] {strides = array<i32>} : memref<4x257x128xbf16, #tpu.memory_space<vmem>>, vector<1x2x16xbf16>,
      %swap3A_254 = vector.shape_cast %swap3A_253 : vector<1x2x16xbf16> to vector<2x16xbf16>
      %swap3A_255 = vector.shape_cast %broadcast_in_dim3A_1 : vector<2x16xbf16> to vector<1x2x16xbf16>
      tpu.vector_store %arg3[%swap3A_250, %swap3A_251, %swap3A_252], %swap3A_255 {strides = array<i32>} : memref<4x257x128xbf16, #tpu.memory_space<vmem>>, vector<1x2x16xbf16>,
      %mul3A_256 = arith.constant 2 : i32
      %mul3A_257 = arith.muli %mul3A_256, %scan3A_246 : i32
      %swap3A_258 = arith.constant 0 : i32
      %swap3A_259 = arith.index_cast %swap3A_258 : i32 to index
      %swap3A_260 = arith.index_cast %mul3A_257 : i32 to index
      %swap3A_261 = arith.constant 16 : index
      %swap3A_262 = tpu.vector_load %arg3[%swap3A_259, %swap3A_260, %swap3A_261] {strides = array<i32>} : memref<4x257x128xbf16, #tpu.memory_space<vmem>>, vector<1x2x16xbf16>,
      %swap3A_263 = vector.shape_cast %swap3A_262 : vector<1x2x16xbf16> to vector<2x16xbf16>
      %swap3A_264 = vector.shape_cast %broadcast_in_dim3A_1 : vector<2x16xbf16> to vector<1x2x16xbf16>
      tpu.vector_store %arg3[%swap3A_259, %swap3A_260, %swap3A_261], %swap3A_264 {strides = array<i32>} : memref<4x257x128xbf16, #tpu.memory_space<vmem>>, vector<1x2x16xbf16>,
      %mul3A_265 = arith.constant 2 : i32
      %mul3A_266 = arith.muli %mul3A_265, %scan3A_246 : i32
      %swap3A_267 = arith.constant 0 : i32
      %swap3A_268 = arith.index_cast %swap3A_267 : i32 to index
      %swap3A_269 = arith.index_cast %mul3A_266 : i32 to index
      %swap3A_270 = arith.constant 32 : index
      %swap3A_271 = tpu.vector_load %arg3[%swap3A_268, %swap3A_269, %swap3A_270] {strides = array<i32>} : memref<4x257x128xbf16, #tpu.memory_space<vmem>>, vector<1x2x16xbf16>,
      %swap3A_272 = vector.shape_cast %swap3A_271 : vector<1x2x16xbf16> to vector<2x16xbf16>
      %swap3A_273 = vector.shape_cast %broadcast_in_dim3A_1 : vector<2x16xbf16> to vector<1x2x16xbf16>
      tpu.vector_store %arg3[%swap3A_268, %swap3A_269, %swap3A_270], %swap3A_273 {strides = array<i32>} : memref<4x257x128xbf16, #tpu.memory_space<vmem>>, vector<1x2x16xbf16>,
      %mul3A_274 = arith.constant 2 : i32
      %mul3A_275 = arith.muli %mul3A_274, %scan3A_246 : i32
      %swap3A_276 = arith.constant 0 : i32
      %swap3A_277 = arith.index_cast %swap3A_276 : i32 to index
      %swap3A_278 = arith.index_cast %mul3A_275 : i32 to index
      %swap3A_279 = arith.constant 48 : index
      %swap3A_280 = tpu.vector_load %arg3[%swap3A_277, %swap3A_278, %swap3A_279] {strides = array<i32>} : memref<4x257x128xbf16, #tpu.memory_space<vmem>>, vector<1x2x16xbf16>,
      %swap3A_281 = vector.shape_cast %swap3A_280 : vector<1x2x16xbf16> to vector<2x16xbf16>
      %swap3A_282 = vector.shape_cast %broadcast_in_dim3A_1 : vector<2x16xbf16> to vector<1x2x16xbf16>
      tpu.vector_store %arg3[%swap3A_277, %swap3A_278, %swap3A_279], %swap3A_282 {strides = array<i32>} : memref<4x257x128xbf16, #tpu.memory_space<vmem>>, vector<1x2x16xbf16>,
      %mul3A_283 = arith.constant 2 : i32
      %mul3A_284 = arith.muli %mul3A_283, %scan3A_246 : i32
      %swap3A_285 = arith.constant 0 : i32
      %swap3A_286 = arith.index_cast %swap3A_285 : i32 to index
      %swap3A_287 = arith.index_cast %mul3A_284 : i32 to index
      %swap3A_288 = arith.constant 64 : index
      %swap3A_289 = tpu.vector_load %arg3[%swap3A_286, %swap3A_287, %swap3A_288] {strides = array<i32>} : memref<4x257x128xbf16, #tpu.memory_space<vmem>>, vector<1x2x16xbf16>,
      %swap3A_290 = vector.shape_cast %swap3A_289 : vector<1x2x16xbf16> to vector<2x16xbf16>
      %swap3A_291 = vector.shape_cast %broadcast_in_dim3A_1 : vector<2x16xbf16> to vector<1x2x16xbf16>
      tpu.vector_store %arg3[%swap3A_286, %swap3A_287, %swap3A_288], %swap3A_291 {strides = array<i32>} : memref<4x257x128xbf16, #tpu.memory_space<vmem>>, vector<1x2x16xbf16>,
      %mul3A_292 = arith.constant 2 : i32
      %mul3A_293 = arith.muli %mul3A_292, %scan3A_246 : i32
      %swap3A_294 = arith.constant 0 : i32
      %swap3A_295 = arith.index_cast %swap3A_294 : i32 to index
      %swap3A_296 = arith.index_cast %mul3A_293 : i32 to index
      %swap3A_297 = arith.constant 80 : index
      %swap3A_298 = tpu.vector_load %arg3[%swap3A_295, %swap3A_296, %swap3A_297] {strides = array<i32>} : memref<4x257x128xbf16, #tpu.memory_space<vmem>>, vector<1x2x16xbf16>,
      %swap3A_299 = vector.shape_cast %swap3A_298 : vector<1x2x16xbf16> to vector<2x16xbf16>
      %swap3A_300 = vector.shape_cast %broadcast_in_dim3A_1 : vector<2x16xbf16> to vector<1x2x16xbf16>
      tpu.vector_store %arg3[%swap3A_295, %swap3A_296, %swap3A_297], %swap3A_300 {strides = array<i32>} : memref<4x257x128xbf16, #tpu.memory_space<vmem>>, vector<1x2x16xbf16>,
      %mul3A_301 = arith.constant 2 : i32
      %mul3A_302 = arith.muli %mul3A_301, %scan3A_246 : i32
      %swap3A_303 = arith.constant 0 : i32
      %swap3A_304 = arith.index_cast %swap3A_303 : i32 to index
      %swap3A_305 = arith.index_cast %mul3A_302 : i32 to index
      %swap3A_306 = arith.constant 96 : index
      %swap3A_307 = tpu.vector_load %arg3[%swap3A_304, %swap3A_305, %swap3A_306] {strides = array<i32>} : memref<4x257x128xbf16, #tpu.memory_space<vmem>>, vector<1x2x16xbf16>,
      %swap3A_308 = vector.shape_cast %swap3A_307 : vector<1x2x16xbf16> to vector<2x16xbf16>
      %swap3A_309 = vector.shape_cast %broadcast_in_dim3A_1 : vector<2x16xbf16> to vector<1x2x16xbf16>
      tpu.vector_store %arg3[%swap3A_304, %swap3A_305, %swap3A_306], %swap3A_309 {strides = array<i32>} : memref<4x257x128xbf16, #tpu.memory_space<vmem>>, vector<1x2x16xbf16>,
      %mul3A_310 = arith.constant 2 : i32
      %mul3A_311 = arith.muli %mul3A_310, %scan3A_246 : i32
      %swap3A_312 = arith.constant 0 : i32
      %swap3A_313 = arith.index_cast %swap3A_312 : i32 to index
      %swap3A_314 = arith.index_cast %mul3A_311 : i32 to index
      %swap3A_315 = arith.constant 112 : index
      %swap3A_316 = tpu.vector_load %arg3[%swap3A_313, %swap3A_314, %swap3A_315] {strides = array<i32>} : memref<4x257x128xbf16, #tpu.memory_space<vmem>>, vector<1x2x16xbf16>,
      %swap3A_317 = vector.shape_cast %swap3A_316 : vector<1x2x16xbf16> to vector<2x16xbf16>
      %swap3A_318 = vector.shape_cast %broadcast_in_dim3A_1 : vector<2x16xbf16> to vector<1x2x16xbf16>
      tpu.vector_store %arg3[%swap3A_313, %swap3A_314, %swap3A_315], %swap3A_318 {strides = array<i32>} : memref<4x257x128xbf16, #tpu.memory_space<vmem>>, vector<1x2x16xbf16>,
      %mul3A_319 = arith.constant 2 : i32
      %mul3A_320 = arith.muli %mul3A_319, %scan3A_246 : i32
      %swap3A_321 = arith.constant 1 : i32
      %swap3A_322 = arith.index_cast %swap3A_321 : i32 to index
      %swap3A_323 = arith.index_cast %mul3A_320 : i32 to index
      %swap3A_324 = arith.constant 0 : index
      %swap3A_325 = tpu.vector_load %arg3[%swap3A_322, %swap3A_323, %swap3A_324] {strides = array<i32>} : memref<4x257x128xbf16, #tpu.memory_space<vmem>>, vector<1x2x16xbf16>,
      %swap3A_326 = vector.shape_cast %swap3A_325 : vector<1x2x16xbf16> to vector<2x16xbf16>
      %swap3A_327 = vector.shape_cast %broadcast_in_dim3A_1 : vector<2x16xbf16> to vector<1x2x16xbf16>
      tpu.vector_store %arg3[%swap3A_322, %swap3A_323, %swap3A_324], %swap3A_327 {strides = array<i32>} : memref<4x257x128xbf16, #tpu.memory_space<vmem>>, vector<1x2x16xbf16>,
      %mul3A_328 = arith.constant 2 : i32
      %mul3A_329 = arith.muli %mul3A_328, %scan3A_246 : i32
      %swap3A_330 = arith.constant 1 : i32
      %swap3A_331 = arith.index_cast %swap3A_330 : i32 to index
      %swap3A_332 = arith.index_cast %mul3A_329 : i32 to index
      %swap3A_333 = arith.constant 16 : index
      %swap3A_334 = tpu.vector_load %arg3[%swap3A_331, %swap3A_332, %swap3A_333] {strides = array<i32>} : memref<4x257x128xbf16, #tpu.memory_space<vmem>>, vector<1x2x16xbf16>,
      %swap3A_335 = vector.shape_cast %swap3A_334 : vector<1x2x16xbf16> to vector<2x16xbf16>
      %swap3A_336 = vector.shape_cast %broadcast_in_dim3A_1 : vector<2x16xbf16> to vector<1x2x16xbf16>
      tpu.vector_store %arg3[%swap3A_331, %swap3A_332, %swap3A_333], %swap3A_336 {strides = array<i32>} : memref<4x257x128xbf16, #tpu.memory_space<vmem>>, vector<1x2x16xbf16>,
      %mul3A_337 = arith.constant 2 : i32
      %mul3A_338 = arith.muli %mul3A_337, %scan3A_246 : i32
      %swap3A_339 = arith.constant 1 : i32
      %swap3A_340 = arith.index_cast %swap3A_339 : i32 to index
      %swap3A_341 = arith.index_cast %mul3A_338 : i32 to index
      %swap3A_342 = arith.constant 32 : index
      %swap3A_343 = tpu.vector_load %arg3[%swap3A_340, %swap3A_341, %swap3A_342] {strides = array<i32>} : memref<4x257x128xbf16, #tpu.memory_space<vmem>>, vector<1x2x16xbf16>,
      %swap3A_344 = vector.shape_cast %swap3A_343 : vector<1x2x16xbf16> to vector<2x16xbf16>
      %swap3A_345 = vector.shape_cast %broadcast_in_dim3A_1 : vector<2x16xbf16> to vector<1x2x16xbf16>
      tpu.vector_store %arg3[%swap3A_340, %swap3A_341, %swap3A_342], %swap3A_345 {strides = array<i32>} : memref<4x257x128xbf16, #tpu.memory_space<vmem>>, vector<1x2x16xbf16>,
      %mul3A_346 = arith.constant 2 : i32
      %mul3A_347 = arith.muli %mul3A_346, %scan3A_246 : i32
      %swap3A_348 = arith.constant 1 : i32
      %swap3A_349 = arith.index_cast %swap3A_348 : i32 to index
      %swap3A_350 = arith.index_cast %mul3A_347 : i32 to index
      %swap3A_351 = arith.constant 48 : index
      %swap3A_352 = tpu.vector_load %arg3[%swap3A_349, %swap3A_350, %swap3A_351] {strides = array<i32>} : memref<4x257x128xbf16, #tpu.memory_space<vmem>>, vector<1x2x16xbf16>,
      %swap3A_353 = vector.shape_cast %swap3A_352 : vector<1x2x16xbf16> to vector<2x16xbf16>
      %swap3A_354 = vector.shape_cast %broadcast_in_dim3A_1 : vector<2x16xbf16> to vector<1x2x16xbf16>
      tpu.vector_store %arg3[%swap3A_349, %swap3A_350, %swap3A_351], %swap3A_354 {strides = array<i32>} : memref<4x257x128xbf16, #tpu.memory_space<vmem>>, vector<1x2x16xbf16>,
      %mul3A_355 = arith.constant 2 : i32
      %mul3A_356 = arith.muli %mul3A_355, %scan3A_246 : i32
      %swap3A_357 = arith.constant 1 : i32
      %swap3A_358 = arith.index_cast %swap3A_357 : i32 to index
      %swap3A_359 = arith.index_cast %mul3A_356 : i32 to index
      %swap3A_360 = arith.constant 64 : index
      %swap3A_361 = tpu.vector_load %arg3[%swap3A_358, %swap3A_359, %swap3A_360] {strides = array<i32>} : memref<4x257x128xbf16, #tpu.memory_space<vmem>>, vector<1x2x16xbf16>,
      %swap3A_362 = vector.shape_cast %swap3A_361 : vector<1x2x16xbf16> to vector<2x16xbf16>
      %swap3A_363 = vector.shape_cast %broadcast_in_dim3A_1 : vector<2x16xbf16> to vector<1x2x16xbf16>
      tpu.vector_store %arg3[%swap3A_358, %swap3A_359, %swap3A_360], %swap3A_363 {strides = array<i32>} : memref<4x257x128xbf16, #tpu.memory_space<vmem>>, vector<1x2x16xbf16>,
      %mul3A_364 = arith.constant 2 : i32
      %mul3A_365 = arith.muli %mul3A_364, %scan3A_246 : i32
      %swap3A_366 = arith.constant 1 : i32
      %swap3A_367 = arith.index_cast %swap3A_366 : i32 to index
      %swap3A_368 = arith.index_cast %mul3A_365 : i32 to index
      %swap3A_369 = arith.constant 80 : index
      %swap3A_370 = tpu.vector_load %arg3[%swap3A_367, %swap3A_368, %swap3A_369] {strides = array<i32>} : memref<4x257x128xbf16, #tpu.memory_space<vmem>>, vector<1x2x16xbf16>,
      %swap3A_371 = vector.shape_cast %swap3A_370 : vector<1x2x16xbf16> to vector<2x16xbf16>
      %swap3A_372 = vector.shape_cast %broadcast_in_dim3A_1 : vector<2x16xbf16> to vector<1x2x16xbf16>
      tpu.vector_store %arg3[%swap3A_367, %swap3A_368, %swap3A_369], %swap3A_372 {strides = array<i32>} : memref<4x257x128xbf16, #tpu.memory_space<vmem>>, vector<1x2x16xbf16>,
      %mul3A_373 = arith.constant 2 : i32
      %mul3A_374 = arith.muli %mul3A_373, %scan3A_246 : i32
      %swap3A_375 = arith.constant 1 : i32
      %swap3A_376 = arith.index_cast %swap3A_375 : i32 to index
      %swap3A_377 = arith.index_cast %mul3A_374 : i32 to index
      %swap3A_378 = arith.constant 96 : index
      %swap3A_379 = tpu.vector_load %arg3[%swap3A_376, %swap3A_377, %swap3A_378] {strides = array<i32>} : memref<4x257x128xbf16, #tpu.memory_space<vmem>>, vector<1x2x16xbf16>,
      %swap3A_380 = vector.shape_cast %swap3A_379 : vector<1x2x16xbf16> to vector<2x16xbf16>
      %swap3A_381 = vector.shape_cast %broadcast_in_dim3A_1 : vector<2x16xbf16> to vector<1x2x16xbf16>
      tpu.vector_store %arg3[%swap3A_376, %swap3A_377, %swap3A_378], %swap3A_381 {strides = array<i32>} : memref<4x257x128xbf16, #tpu.memory_space<vmem>>, vector<1x2x16xbf16>,
      %mul3A_382 = arith.constant 2 : i32
      %mul3A_383 = arith.muli %mul3A_382, %scan3A_246 : i32
      %swap3A_384 = arith.constant 1 : i32
      %swap3A_385 = arith.index_cast %swap3A_384 : i32 to index
      %swap3A_386 = arith.index_cast %mul3A_383 : i32 to index
      %swap3A_387 = arith.constant 112 : index
      %swap3A_388 = tpu.vector_load %arg3[%swap3A_385, %swap3A_386, %swap3A_387] {strides = array<i32>} : memref<4x257x128xbf16, #tpu.memory_space<vmem>>, vector<1x2x16xbf16>,
      %swap3A_389 = vector.shape_cast %swap3A_388 : vector<1x2x16xbf16> to vector<2x16xbf16>
      %swap3A_390 = vector.shape_cast %broadcast_in_dim3A_1 : vector<2x16xbf16> to vector<1x2x16xbf16>
      tpu.vector_store %arg3[%swap3A_385, %swap3A_386, %swap3A_387], %swap3A_390 {strides = array<i32>} : memref<4x257x128xbf16, #tpu.memory_space<vmem>>, vector<1x2x16xbf16>,
      %mul3A_391 = arith.constant 2 : i32
      %mul3A_392 = arith.muli %mul3A_391, %scan3A_246 : i32
      %swap3A_393 = arith.constant 2 : i32
      %swap3A_394 = arith.index_cast %swap3A_393 : i32 to index
      %swap3A_395 = arith.index_cast %mul3A_392 : i32 to index
      %swap3A_396 = arith.constant 0 : index
      %swap3A_397 = tpu.vector_load %arg3[%swap3A_394, %swap3A_395, %swap3A_396] {strides = array<i32>} : memref<4x257x128xbf16, #tpu.memory_space<vmem>>, vector<1x2x16xbf16>,
      %swap3A_398 = vector.shape_cast %swap3A_397 : vector<1x2x16xbf16> to vector<2x16xbf16>
      %swap3A_399 = vector.shape_cast %broadcast_in_dim3A_1 : vector<2x16xbf16> to vector<1x2x16xbf16>
      tpu.vector_store %arg3[%swap3A_394, %swap3A_395, %swap3A_396], %swap3A_399 {strides = array<i32>} : memref<4x257x128xbf16, #tpu.memory_space<vmem>>, vector<1x2x16xbf16>,
      %mul3A_400 = arith.constant 2 : i32
      %mul3A_401 = arith.muli %mul3A_400, %scan3A_246 : i32
      %swap3A_402 = arith.constant 2 : i32
      %swap3A_403 = arith.index_cast %swap3A_402 : i32 to index
      %swap3A_404 = arith.index_cast %mul3A_401 : i32 to index
      %swap3A_405 = arith.constant 16 : index
      %swap3A_406 = tpu.vector_load %arg3[%swap3A_403, %swap3A_404, %swap3A_405] {strides = array<i32>} : memref<4x257x128xbf16, #tpu.memory_space<vmem>>, vector<1x2x16xbf16>,
      %swap3A_407 = vector.shape_cast %swap3A_406 : vector<1x2x16xbf16> to vector<2x16xbf16>
      %swap3A_408 = vector.shape_cast %broadcast_in_dim3A_1 : vector<2x16xbf16> to vector<1x2x16xbf16>
      tpu.vector_store %arg3[%swap3A_403, %swap3A_404, %swap3A_405], %swap3A_408 {strides = array<i32>} : memref<4x257x128xbf16, #tpu.memory_space<vmem>>, vector<1x2x16xbf16>,
      %mul3A_409 = arith.constant 2 : i32
      %mul3A_410 = arith.muli %mul3A_409, %scan3A_246 : i32
      %swap3A_411 = arith.constant 2 : i32
      %swap3A_412 = arith.index_cast %swap3A_411 : i32 to index
      %swap3A_413 = arith.index_cast %mul3A_410 : i32 to index
      %swap3A_414 = arith.constant 32 : index
      %swap3A_415 = tpu.vector_load %arg3[%swap3A_412, %swap3A_413, %swap3A_414] {strides = array<i32>} : memref<4x257x128xbf16, #tpu.memory_space<vmem>>, vector<1x2x16xbf16>,
      %swap3A_416 = vector.shape_cast %swap3A_415 : vector<1x2x16xbf16> to vector<2x16xbf16>
      %swap3A_417 = vector.shape_cast %broadcast_in_dim3A_1 : vector<2x16xbf16> to vector<1x2x16xbf16>
      tpu.vector_store %arg3[%swap3A_412, %swap3A_413, %swap3A_414], %swap3A_417 {strides = array<i32>} : memref<4x257x128xbf16, #tpu.memory_space<vmem>>, vector<1x2x16xbf16>,
      %mul3A_418 = arith.constant 2 : i32
      %mul3A_419 = arith.muli %mul3A_418, %scan3A_246 : i32
      %swap3A_420 = arith.constant 2 : i32
      %swap3A_421 = arith.index_cast %swap3A_420 : i32 to index
      %swap3A_422 = arith.index_cast %mul3A_419 : i32 to index
      %swap3A_423 = arith.constant 48 : index
      %swap3A_424 = tpu.vector_load %arg3[%swap3A_421, %swap3A_422, %swap3A_423] {strides = array<i32>} : memref<4x257x128xbf16, #tpu.memory_space<vmem>>, vector<1x2x16xbf16>,
      %swap3A_425 = vector.shape_cast %swap3A_424 : vector<1x2x16xbf16> to vector<2x16xbf16>
      %swap3A_426 = vector.shape_cast %broadcast_in_dim3A_1 : vector<2x16xbf16> to vector<1x2x16xbf16>
      tpu.vector_store %arg3[%swap3A_421, %swap3A_422, %swap3A_423], %swap3A_426 {strides = array<i32>} : memref<4x257x128xbf16, #tpu.memory_space<vmem>>, vector<1x2x16xbf16>,
      %mul3A_427 = arith.constant 2 : i32
      %mul3A_428 = arith.muli %mul3A_427, %scan3A_246 : i32
      %swap3A_429 = arith.constant 2 : i32
      %swap3A_430 = arith.index_cast %swap3A_429 : i32 to index
      %swap3A_431 = arith.index_cast %mul3A_428 : i32 to index
      %swap3A_432 = arith.constant 64 : index
      %swap3A_433 = tpu.vector_load %arg3[%swap3A_430, %swap3A_431, %swap3A_432] {strides = array<i32>} : memref<4x257x128xbf16, #tpu.memory_space<vmem>>, vector<1x2x16xbf16>,
      %swap3A_434 = vector.shape_cast %swap3A_433 : vector<1x2x16xbf16> to vector<2x16xbf16>
      %swap3A_435 = vector.shape_cast %broadcast_in_dim3A_1 : vector<2x16xbf16> to vector<1x2x16xbf16>
      tpu.vector_store %arg3[%swap3A_430, %swap3A_431, %swap3A_432], %swap3A_435 {strides = array<i32>} : memref<4x257x128xbf16, #tpu.memory_space<vmem>>, vector<1x2x16xbf16>,
      %mul3A_436 = arith.constant 2 : i32
      %mul3A_437 = arith.muli %mul3A_436, %scan3A_246 : i32
      %swap3A_438 = arith.constant 2 : i32
      %swap3A_439 = arith.index_cast %swap3A_438 : i32 to index
      %swap3A_440 = arith.index_cast %mul3A_437 : i32 to index
      %swap3A_441 = arith.constant 80 : index
      %swap3A_442 = tpu.vector_load %arg3[%swap3A_439, %swap3A_440, %swap3A_441] {strides = array<i32>} : memref<4x257x128xbf16, #tpu.memory_space<vmem>>, vector<1x2x16xbf16>,
      %swap3A_443 = vector.shape_cast %swap3A_442 : vector<1x2x16xbf16> to vector<2x16xbf16>
      %swap3A_444 = vector.shape_cast %broadcast_in_dim3A_1 : vector<2x16xbf16> to vector<1x2x16xbf16>
      tpu.vector_store %arg3[%swap3A_439, %swap3A_440, %swap3A_441], %swap3A_444 {strides = array<i32>} : memref<4x257x128xbf16, #tpu.memory_space<vmem>>, vector<1x2x16xbf16>,
      %mul3A_445 = arith.constant 2 : i32
      %mul3A_446 = arith.muli %mul3A_445, %scan3A_246 : i32
      %swap3A_447 = arith.constant 2 : i32
      %swap3A_448 = arith.index_cast %swap3A_447 : i32 to index
      %swap3A_449 = arith.index_cast %mul3A_446 : i32 to index
      %swap3A_450 = arith.constant 96 : index
      %swap3A_451 = tpu.vector_load %arg3[%swap3A_448, %swap3A_449, %swap3A_450] {strides = array<i32>} : memref<4x257x128xbf16, #tpu.memory_space<vmem>>, vector<1x2x16xbf16>,
      %swap3A_452 = vector.shape_cast %swap3A_451 : vector<1x2x16xbf16> to vector<2x16xbf16>
      %swap3A_453 = vector.shape_cast %broadcast_in_dim3A_1 : vector<2x16xbf16> to vector<1x2x16xbf16>
      tpu.vector_store %arg3[%swap3A_448, %swap3A_449, %swap3A_450], %swap3A_453 {strides = array<i32>} : memref<4x257x128xbf16, #tpu.memory_space<vmem>>, vector<1x2x16xbf16>,
      %mul3A_454 = arith.constant 2 : i32
      %mul3A_455 = arith.muli %mul3A_454, %scan3A_246 : i32
      %swap3A_456 = arith.constant 2 : i32
      %swap3A_457 = arith.index_cast %swap3A_456 : i32 to index
      %swap3A_458 = arith.index_cast %mul3A_455 : i32 to index
      %swap3A_459 = arith.constant 112 : index
      %swap3A_460 = tpu.vector_load %arg3[%swap3A_457, %swap3A_458, %swap3A_459] {strides = array<i32>} : memref<4x257x128xbf16, #tpu.memory_space<vmem>>, vector<1x2x16xbf16>,
      %swap3A_461 = vector.shape_cast %swap3A_460 : vector<1x2x16xbf16> to vector<2x16xbf16>
      %swap3A_462 = vector.shape_cast %broadcast_in_dim3A_1 : vector<2x16xbf16> to vector<1x2x16xbf16>
      tpu.vector_store %arg3[%swap3A_457, %swap3A_458, %swap3A_459], %swap3A_462 {strides = array<i32>} : memref<4x257x128xbf16, #tpu.memory_space<vmem>>, vector<1x2x16xbf16>,
      %mul3A_463 = arith.constant 2 : i32
      %mul3A_464 = arith.muli %mul3A_463, %scan3A_246 : i32
      %swap3A_465 = arith.constant 3 : i32
      %swap3A_466 = arith.index_cast %swap3A_465 : i32 to index
      %swap3A_467 = arith.index_cast %mul3A_464 : i32 to index
      %swap3A_468 = arith.constant 0 : index
      %swap3A_469 = tpu.vector_load %arg3[%swap3A_466, %swap3A_467, %swap3A_468] {strides = array<i32>} : memref<4x257x128xbf16, #tpu.memory_space<vmem>>, vector<1x2x16xbf16>,
      %swap3A_470 = vector.shape_cast %swap3A_469 : vector<1x2x16xbf16> to vector<2x16xbf16>
      %swap3A_471 = vector.shape_cast %broadcast_in_dim3A_1 : vector<2x16xbf16> to vector<1x2x16xbf16>
      tpu.vector_store %arg3[%swap3A_466, %swap3A_467, %swap3A_468], %swap3A_471 {strides = array<i32>} : memref<4x257x128xbf16, #tpu.memory_space<vmem>>, vector<1x2x16xbf16>,
      %mul3A_472 = arith.constant 2 : i32
      %mul3A_473 = arith.muli %mul3A_472, %scan3A_246 : i32
      %swap3A_474 = arith.constant 3 : i32
      %swap3A_475 = arith.index_cast %swap3A_474 : i32 to index
      %swap3A_476 = arith.index_cast %mul3A_473 : i32 to index
      %swap3A_477 = arith.constant 16 : index
      %swap3A_478 = tpu.vector_load %arg3[%swap3A_475, %swap3A_476, %swap3A_477] {strides = array<i32>} : memref<4x257x128xbf16, #tpu.memory_space<vmem>>, vector<1x2x16xbf16>,
      %swap3A_479 = vector.shape_cast %swap3A_478 : vector<1x2x16xbf16> to vector<2x16xbf16>
      %swap3A_480 = vector.shape_cast %broadcast_in_dim3A_1 : vector<2x16xbf16> to vector<1x2x16xbf16>
      tpu.vector_store %arg3[%swap3A_475, %swap3A_476, %swap3A_477], %swap3A_480 {strides = array<i32>} : memref<4x257x128xbf16, #tpu.memory_space<vmem>>, vector<1x2x16xbf16>,
      %mul3A_481 = arith.constant 2 : i32
      %mul3A_482 = arith.muli %mul3A_481, %scan3A_246 : i32
      %swap3A_483 = arith.constant 3 : i32
      %swap3A_484 = arith.index_cast %swap3A_483 : i32 to index
      %swap3A_485 = arith.index_cast %mul3A_482 : i32 to index
      %swap3A_486 = arith.constant 32 : index
      %swap3A_487 = tpu.vector_load %arg3[%swap3A_484, %swap3A_485, %swap3A_486] {strides = array<i32>} : memref<4x257x128xbf16, #tpu.memory_space<vmem>>, vector<1x2x16xbf16>,
      %swap3A_488 = vector.shape_cast %swap3A_487 : vector<1x2x16xbf16> to vector<2x16xbf16>
      %swap3A_489 = vector.shape_cast %broadcast_in_dim3A_1 : vector<2x16xbf16> to vector<1x2x16xbf16>
      tpu.vector_store %arg3[%swap3A_484, %swap3A_485, %swap3A_486], %swap3A_489 {strides = array<i32>} : memref<4x257x128xbf16, #tpu.memory_space<vmem>>, vector<1x2x16xbf16>,
      %mul3A_490 = arith.constant 2 : i32
      %mul3A_491 = arith.muli %mul3A_490, %scan3A_246 : i32
      %swap3A_492 = arith.constant 3 : i32
      %swap3A_493 = arith.index_cast %swap3A_492 : i32 to index
      %swap3A_494 = arith.index_cast %mul3A_491 : i32 to index
      %swap3A_495 = arith.constant 48 : index
      %swap3A_496 = tpu.vector_load %arg3[%swap3A_493, %swap3A_494, %swap3A_495] {strides = array<i32>} : memref<4x257x128xbf16, #tpu.memory_space<vmem>>, vector<1x2x16xbf16>,
      %swap3A_497 = vector.shape_cast %swap3A_496 : vector<1x2x16xbf16> to vector<2x16xbf16>
      %swap3A_498 = vector.shape_cast %broadcast_in_dim3A_1 : vector<2x16xbf16> to vector<1x2x16xbf16>
      tpu.vector_store %arg3[%swap3A_493, %swap3A_494, %swap3A_495], %swap3A_498 {strides = array<i32>} : memref<4x257x128xbf16, #tpu.memory_space<vmem>>, vector<1x2x16xbf16>,
      %mul3A_499 = arith.constant 2 : i32
      %mul3A_500 = arith.muli %mul3A_499, %scan3A_246 : i32
      %swap3A_501 = arith.constant 3 : i32
      %swap3A_502 = arith.index_cast %swap3A_501 : i32 to index
      %swap3A_503 = arith.index_cast %mul3A_500 : i32 to index
      %swap3A_504 = arith.constant 64 : index
      %swap3A_505 = tpu.vector_load %arg3[%swap3A_502, %swap3A_503, %swap3A_504] {strides = array<i32>} : memref<4x257x128xbf16, #tpu.memory_space<vmem>>, vector<1x2x16xbf16>,
      %swap3A_506 = vector.shape_cast %swap3A_505 : vector<1x2x16xbf16> to vector<2x16xbf16>
      %swap3A_507 = vector.shape_cast %broadcast_in_dim3A_1 : vector<2x16xbf16> to vector<1x2x16xbf16>
      tpu.vector_store %arg3[%swap3A_502, %swap3A_503, %swap3A_504], %swap3A_507 {strides = array<i32>} : memref<4x257x128xbf16, #tpu.memory_space<vmem>>, vector<1x2x16xbf16>,
      %mul3A_508 = arith.constant 2 : i32
      %mul3A_509 = arith.muli %mul3A_508, %scan3A_246 : i32
      %swap3A_510 = arith.constant 3 : i32
      %swap3A_511 = arith.index_cast %swap3A_510 : i32 to index
      %swap3A_512 = arith.index_cast %mul3A_509 : i32 to index
      %swap3A_513 = arith.constant 80 : index
      %swap3A_514 = tpu.vector_load %arg3[%swap3A_511, %swap3A_512, %swap3A_513] {strides = array<i32>} : memref<4x257x128xbf16, #tpu.memory_space<vmem>>, vector<1x2x16xbf16>,
      %swap3A_515 = vector.shape_cast %swap3A_514 : vector<1x2x16xbf16> to vector<2x16xbf16>
      %swap3A_516 = vector.shape_cast %broadcast_in_dim3A_1 : vector<2x16xbf16> to vector<1x2x16xbf16>
      tpu.vector_store %arg3[%swap3A_511, %swap3A_512, %swap3A_513], %swap3A_516 {strides = array<i32>} : memref<4x257x128xbf16, #tpu.memory_space<vmem>>, vector<1x2x16xbf16>,
      %mul3A_517 = arith.constant 2 : i32
      %mul3A_518 = arith.muli %mul3A_517, %scan3A_246 : i32
      %swap3A_519 = arith.constant 3 : i32
      %swap3A_520 = arith.index_cast %swap3A_519 : i32 to index
      %swap3A_521 = arith.index_cast %mul3A_518 : i32 to index
      %swap3A_522 = arith.constant 96 : index
      %swap3A_523 = tpu.vector_load %arg3[%swap3A_520, %swap3A_521, %swap3A_522] {strides = array<i32>} : memref<4x257x128xbf16, #tpu.memory_space<vmem>>, vector<1x2x16xbf16>,
      %swap3A_524 = vector.shape_cast %swap3A_523 : vector<1x2x16xbf16> to vector<2x16xbf16>
      %swap3A_525 = vector.shape_cast %broadcast_in_dim3A_1 : vector<2x16xbf16> to vector<1x2x16xbf16>
      tpu.vector_store %arg3[%swap3A_520, %swap3A_521, %swap3A_522], %swap3A_525 {strides = array<i32>} : memref<4x257x128xbf16, #tpu.memory_space<vmem>>, vector<1x2x16xbf16>,
      %mul3A_526 = arith.constant 2 : i32
      %mul3A_527 = arith.muli %mul3A_526, %scan3A_246 : i32
      %swap3A_528 = arith.constant 3 : i32
      %swap3A_529 = arith.index_cast %swap3A_528 : i32 to index
      %swap3A_530 = arith.index_cast %mul3A_527 : i32 to index
      %swap3A_531 = arith.constant 112 : index
      %swap3A_532 = tpu.vector_load %arg3[%swap3A_529, %swap3A_530, %swap3A_531] {strides = array<i32>} : memref<4x257x128xbf16, #tpu.memory_space<vmem>>, vector<1x2x16xbf16>,
      %swap3A_533 = vector.shape_cast %swap3A_532 : vector<1x2x16xbf16> to vector<2x16xbf16>
      %swap3A_534 = vector.shape_cast %broadcast_in_dim3A_1 : vector<2x16xbf16> to vector<1x2x16xbf16>
      tpu.vector_store %arg3[%swap3A_529, %swap3A_530, %swap3A_531], %swap3A_534 {strides = array<i32>} : memref<4x257x128xbf16, #tpu.memory_space<vmem>>, vector<1x2x16xbf16>,
    }
    %scan3A_6 = arith.constant 128 : i32
    %broadcast_in_dim3A_7 = arith.constant 0.000000e+00 : bf16
    %broadcast_in_dim3A_8 = vector.broadcast %broadcast_in_dim3A_7 : bf16 to vector<32xbf16>
    %swap3A = arith.constant 0 : i32
    %swap3A_9 = arith.constant 256 : i32
    %swap3A_10 = arith.index_cast %swap3A : i32 to index
    %swap3A_11 = arith.index_cast %swap3A_9 : i32 to index
    %swap3A_12 = arith.constant 0 : index
    %swap3A_13 = tpu.vector_load %arg3[%swap3A_10, %swap3A_11, %swap3A_12] {strides = array<i32>} : memref<4x257x128xbf16, #tpu.memory_space<vmem>>, vector<1x1x32xbf16>,
    %swap3A_14 = vector.shape_cast %swap3A_13 : vector<1x1x32xbf16> to vector<32xbf16>
    %swap3A_15 = vector.shape_cast %broadcast_in_dim3A_8 : vector<32xbf16> to vector<1x1x32xbf16>
    tpu.vector_store %arg3[%swap3A_10, %swap3A_11, %swap3A_12], %swap3A_15 {strides = array<i32>} : memref<4x257x128xbf16, #tpu.memory_space<vmem>>, vector<1x1x32xbf16>,
    %broadcast_in_dim3A_16 = arith.constant 0.000000e+00 : bf16
    %broadcast_in_dim3A_17 = vector.broadcast %broadcast_in_dim3A_16 : bf16 to vector<32xbf16>
    %swap3A_18 = arith.constant 0 : i32
    %swap3A_19 = arith.constant 256 : i32
    %swap3A_20 = arith.index_cast %swap3A_18 : i32 to index
    %swap3A_21 = arith.index_cast %swap3A_19 : i32 to index
    %swap3A_22 = arith.constant 32 : index
    %swap3A_23 = tpu.vector_load %arg3[%swap3A_20, %swap3A_21, %swap3A_22] {strides = array<i32>} : memref<4x257x128xbf16, #tpu.memory_space<vmem>>, vector<1x1x32xbf16>,
    %swap3A_24 = vector.shape_cast %swap3A_23 : vector<1x1x32xbf16> to vector<32xbf16>
    %swap3A_25 = vector.shape_cast %broadcast_in_dim3A_17 : vector<32xbf16> to vector<1x1x32xbf16>
    tpu.vector_store %arg3[%swap3A_20, %swap3A_21, %swap3A_22], %swap3A_25 {strides = array<i32>} : memref<4x257x128xbf16, #tpu.memory_space<vmem>>, vector<1x1x32xbf16>,
    %broadcast_in_dim3A_26 = arith.constant 0.000000e+00 : bf16
    %broadcast_in_dim3A_27 = vector.broadcast %broadcast_in_dim3A_26 : bf16 to vector<32xbf16>
    %swap3A_28 = arith.constant 0 : i32
    %swap3A_29 = arith.constant 256 : i32
    %swap3A_30 = arith.index_cast %swap3A_28 : i32 to index
    %swap3A_31 = arith.index_cast %swap3A_29 : i32 to index
    %swap3A_32 = arith.constant 64 : index
    %swap3A_33 = tpu.vector_load %arg3[%swap3A_30, %swap3A_31, %swap3A_32] {strides = array<i32>} : memref<4x257x128xbf16, #tpu.memory_space<vmem>>, vector<1x1x32xbf16>,
    %swap3A_34 = vector.shape_cast %swap3A_33 : vector<1x1x32xbf16> to vector<32xbf16>
    %swap3A_35 = vector.shape_cast %broadcast_in_dim3A_27 : vector<32xbf16> to vector<1x1x32xbf16>
    tpu.vector_store %arg3[%swap3A_30, %swap3A_31, %swap3A_32], %swap3A_35 {strides = array<i32>} : memref<4x257x128xbf16, #tpu.memory_space<vmem>>, vector<1x1x32xbf16>,
    %broadcast_in_dim3A_36 = arith.constant 0.000000e+00 : bf16
    %broadcast_in_dim3A_37 = vector.broadcast %broadcast_in_dim3A_36 : bf16 to vector<32xbf16>
    %swap3A_38 = arith.constant 0 : i32
    %swap3A_39 = arith.constant 256 : i32
    %swap3A_40 = arith.index_cast %swap3A_38 : i32 to index
    %swap3A_41 = arith.index_cast %swap3A_39 : i32 to index
    %swap3A_42 = arith.constant 96 : index
    %swap3A_43 = tpu.vector_load %arg3[%swap3A_40, %swap3A_41, %swap3A_42] {strides = array<i32>} : memref<4x257x128xbf16, #tpu.memory_space<vmem>>, vector<1x1x32xbf16>,
    %swap3A_44 = vector.shape_cast %swap3A_43 : vector<1x1x32xbf16> to vector<32xbf16>
    %swap3A_45 = vector.shape_cast %broadcast_in_dim3A_37 : vector<32xbf16> to vector<1x1x32xbf16>
    tpu.vector_store %arg3[%swap3A_40, %swap3A_41, %swap3A_42], %swap3A_45 {strides = array<i32>} : memref<4x257x128xbf16, #tpu.memory_space<vmem>>, vector<1x1x32xbf16>,
    %broadcast_in_dim3A_46 = arith.constant 0.000000e+00 : bf16
    %broadcast_in_dim3A_47 = vector.broadcast %broadcast_in_dim3A_46 : bf16 to vector<32xbf16>
    %swap3A_48 = arith.constant 1 : i32
    %swap3A_49 = arith.constant 256 : i32
    %swap3A_50 = arith.index_cast %swap3A_48 : i32 to index
    %swap3A_51 = arith.index_cast %swap3A_49 : i32 to index
    %swap3A_52 = arith.constant 0 : index
    %swap3A_53 = tpu.vector_load %arg3[%swap3A_50, %swap3A_51, %swap3A_52] {strides = array<i32>} : memref<4x257x128xbf16, #tpu.memory_space<vmem>>, vector<1x1x32xbf16>,
    %swap3A_54 = vector.shape_cast %swap3A_53 : vector<1x1x32xbf16> to vector<32xbf16>
    %swap3A_55 = vector.shape_cast %broadcast_in_dim3A_47 : vector<32xbf16> to vector<1x1x32xbf16>
    tpu.vector_store %arg3[%swap3A_50, %swap3A_51, %swap3A_52], %swap3A_55 {strides = array<i32>} : memref<4x257x128xbf16, #tpu.memory_space<vmem>>, vector<1x1x32xbf16>,
    %broadcast_in_dim3A_56 = arith.constant 0.000000e+00 : bf16
    %broadcast_in_dim3A_57 = vector.broadcast %broadcast_in_dim3A_56 : bf16 to vector<32xbf16>
    %swap3A_58 = arith.constant 1 : i32
    %swap3A_59 = arith.constant 256 : i32
    %swap3A_60 = arith.index_cast %swap3A_58 : i32 to index
    %swap3A_61 = arith.index_cast %swap3A_59 : i32 to index
    %swap3A_62 = arith.constant 32 : index
    %swap3A_63 = tpu.vector_load %arg3[%swap3A_60, %swap3A_61, %swap3A_62] {strides = array<i32>} : memref<4x257x128xbf16, #tpu.memory_space<vmem>>, vector<1x1x32xbf16>,
    %swap3A_64 = vector.shape_cast %swap3A_63 : vector<1x1x32xbf16> to vector<32xbf16>
    %swap3A_65 = vector.shape_cast %broadcast_in_dim3A_57 : vector<32xbf16> to vector<1x1x32xbf16>
    tpu.vector_store %arg3[%swap3A_60, %swap3A_61, %swap3A_62], %swap3A_65 {strides = array<i32>} : memref<4x257x128xbf16, #tpu.memory_space<vmem>>, vector<1x1x32xbf16>,
    %broadcast_in_dim3A_66 = arith.constant 0.000000e+00 : bf16
    %broadcast_in_dim3A_67 = vector.broadcast %broadcast_in_dim3A_66 : bf16 to vector<32xbf16>
    %swap3A_68 = arith.constant 1 : i32
    %swap3A_69 = arith.constant 256 : i32
    %swap3A_70 = arith.index_cast %swap3A_68 : i32 to index
    %swap3A_71 = arith.index_cast %swap3A_69 : i32 to index
    %swap3A_72 = arith.constant 64 : index
    %swap3A_73 = tpu.vector_load %arg3[%swap3A_70, %swap3A_71, %swap3A_72] {strides = array<i32>} : memref<4x257x128xbf16, #tpu.memory_space<vmem>>, vector<1x1x32xbf16>,
    %swap3A_74 = vector.shape_cast %swap3A_73 : vector<1x1x32xbf16> to vector<32xbf16>
    %swap3A_75 = vector.shape_cast %broadcast_in_dim3A_67 : vector<32xbf16> to vector<1x1x32xbf16>
    tpu.vector_store %arg3[%swap3A_70, %swap3A_71, %swap3A_72], %swap3A_75 {strides = array<i32>} : memref<4x257x128xbf16, #tpu.memory_space<vmem>>, vector<1x1x32xbf16>,
    %broadcast_in_dim3A_76 = arith.constant 0.000000e+00 : bf16
    %broadcast_in_dim3A_77 = vector.broadcast %broadcast_in_dim3A_76 : bf16 to vector<32xbf16>
    %swap3A_78 = arith.constant 1 : i32
    %swap3A_79 = arith.constant 256 : i32
    %swap3A_80 = arith.index_cast %swap3A_78 : i32 to index
    %swap3A_81 = arith.index_cast %swap3A_79 : i32 to index
    %swap3A_82 = arith.constant 96 : index
    %swap3A_83 = tpu.vector_load %arg3[%swap3A_80, %swap3A_81, %swap3A_82] {strides = array<i32>} : memref<4x257x128xbf16, #tpu.memory_space<vmem>>, vector<1x1x32xbf16>,
    %swap3A_84 = vector.shape_cast %swap3A_83 : vector<1x1x32xbf16> to vector<32xbf16>
    %swap3A_85 = vector.shape_cast %broadcast_in_dim3A_77 : vector<32xbf16> to vector<1x1x32xbf16>
    tpu.vector_store %arg3[%swap3A_80, %swap3A_81, %swap3A_82], %swap3A_85 {strides = array<i32>} : memref<4x257x128xbf16, #tpu.memory_space<vmem>>, vector<1x1x32xbf16>,
    %broadcast_in_dim3A_86 = arith.constant 0.000000e+00 : bf16
    %broadcast_in_dim3A_87 = vector.broadcast %broadcast_in_dim3A_86 : bf16 to vector<32xbf16>
    %swap3A_88 = arith.constant 2 : i32
    %swap3A_89 = arith.constant 256 : i32
    %swap3A_90 = arith.index_cast %swap3A_88 : i32 to index
    %swap3A_91 = arith.index_cast %swap3A_89 : i32 to index
    %swap3A_92 = arith.constant 0 : index
    %swap3A_93 = tpu.vector_load %arg3[%swap3A_90, %swap3A_91, %swap3A_92] {strides = array<i32>} : memref<4x257x128xbf16, #tpu.memory_space<vmem>>, vector<1x1x32xbf16>,
    %swap3A_94 = vector.shape_cast %swap3A_93 : vector<1x1x32xbf16> to vector<32xbf16>
    %swap3A_95 = vector.shape_cast %broadcast_in_dim3A_87 : vector<32xbf16> to vector<1x1x32xbf16>
    tpu.vector_store %arg3[%swap3A_90, %swap3A_91, %swap3A_92], %swap3A_95 {strides = array<i32>} : memref<4x257x128xbf16, #tpu.memory_space<vmem>>, vector<1x1x32xbf16>,
    %broadcast_in_dim3A_96 = arith.constant 0.000000e+00 : bf16
    %broadcast_in_dim3A_97 = vector.broadcast %broadcast_in_dim3A_96 : bf16 to vector<32xbf16>
    %swap3A_98 = arith.constant 2 : i32
    %swap3A_99 = arith.constant 256 : i32
    %swap3A_100 = arith.index_cast %swap3A_98 : i32 to index
    %swap3A_101 = arith.index_cast %swap3A_99 : i32 to index
    %swap3A_102 = arith.constant 32 : index
    %swap3A_103 = tpu.vector_load %arg3[%swap3A_100, %swap3A_101, %swap3A_102] {strides = array<i32>} : memref<4x257x128xbf16, #tpu.memory_space<vmem>>, vector<1x1x32xbf16>,
    %swap3A_104 = vector.shape_cast %swap3A_103 : vector<1x1x32xbf16> to vector<32xbf16>
    %swap3A_105 = vector.shape_cast %broadcast_in_dim3A_97 : vector<32xbf16> to vector<1x1x32xbf16>
    tpu.vector_store %arg3[%swap3A_100, %swap3A_101, %swap3A_102], %swap3A_105 {strides = array<i32>} : memref<4x257x128xbf16, #tpu.memory_space<vmem>>, vector<1x1x32xbf16>,
    %broadcast_in_dim3A_106 = arith.constant 0.000000e+00 : bf16
    %broadcast_in_dim3A_107 = vector.broadcast %broadcast_in_dim3A_106 : bf16 to vector<32xbf16>
    %swap3A_108 = arith.constant 2 : i32
    %swap3A_109 = arith.constant 256 : i32
    %swap3A_110 = arith.index_cast %swap3A_108 : i32 to index
    %swap3A_111 = arith.index_cast %swap3A_109 : i32 to index
    %swap3A_112 = arith.constant 64 : index
    %swap3A_113 = tpu.vector_load %arg3[%swap3A_110, %swap3A_111, %swap3A_112] {strides = array<i32>} : memref<4x257x128xbf16, #tpu.memory_space<vmem>>, vector<1x1x32xbf16>,
    %swap3A_114 = vector.shape_cast %swap3A_113 : vector<1x1x32xbf16> to vector<32xbf16>
    %swap3A_115 = vector.shape_cast %broadcast_in_dim3A_107 : vector<32xbf16> to vector<1x1x32xbf16>
    tpu.vector_store %arg3[%swap3A_110, %swap3A_111, %swap3A_112], %swap3A_115 {strides = array<i32>} : memref<4x257x128xbf16, #tpu.memory_space<vmem>>, vector<1x1x32xbf16>,
    %broadcast_in_dim3A_116 = arith.constant 0.000000e+00 : bf16
    %broadcast_in_dim3A_117 = vector.broadcast %broadcast_in_dim3A_116 : bf16 to vector<32xbf16>
    %swap3A_118 = arith.constant 2 : i32
    %swap3A_119 = arith.constant 256 : i32
    %swap3A_120 = arith.index_cast %swap3A_118 : i32 to index
    %swap3A_121 = arith.index_cast %swap3A_119 : i32 to index
    %swap3A_122 = arith.constant 96 : index
    %swap3A_123 = tpu.vector_load %arg3[%swap3A_120, %swap3A_121, %swap3A_122] {strides = array<i32>} : memref<4x257x128xbf16, #tpu.memory_space<vmem>>, vector<1x1x32xbf16>,
    %swap3A_124 = vector.shape_cast %swap3A_123 : vector<1x1x32xbf16> to vector<32xbf16>
    %swap3A_125 = vector.shape_cast %broadcast_in_dim3A_117 : vector<32xbf16> to vector<1x1x32xbf16>
    tpu.vector_store %arg3[%swap3A_120, %swap3A_121, %swap3A_122], %swap3A_125 {strides = array<i32>} : memref<4x257x128xbf16, #tpu.memory_space<vmem>>, vector<1x1x32xbf16>,
    %broadcast_in_dim3A_126 = arith.constant 0.000000e+00 : bf16
    %broadcast_in_dim3A_127 = vector.broadcast %broadcast_in_dim3A_126 : bf16 to vector<32xbf16>
    %swap3A_128 = arith.constant 3 : i32
    %swap3A_129 = arith.constant 256 : i32
    %swap3A_130 = arith.index_cast %swap3A_128 : i32 to index
    %swap3A_131 = arith.index_cast %swap3A_129 : i32 to index
    %swap3A_132 = arith.constant 0 : index
    %swap3A_133 = tpu.vector_load %arg3[%swap3A_130, %swap3A_131, %swap3A_132] {strides = array<i32>} : memref<4x257x128xbf16, #tpu.memory_space<vmem>>, vector<1x1x32xbf16>,
    %swap3A_134 = vector.shape_cast %swap3A_133 : vector<1x1x32xbf16> to vector<32xbf16>
    %swap3A_135 = vector.shape_cast %broadcast_in_dim3A_127 : vector<32xbf16> to vector<1x1x32xbf16>
    tpu.vector_store %arg3[%swap3A_130, %swap3A_131, %swap3A_132], %swap3A_135 {strides = array<i32>} : memref<4x257x128xbf16, #tpu.memory_space<vmem>>, vector<1x1x32xbf16>,
    %broadcast_in_dim3A_136 = arith.constant 0.000000e+00 : bf16
    %broadcast_in_dim3A_137 = vector.broadcast %broadcast_in_dim3A_136 : bf16 to vector<32xbf16>
    %swap3A_138 = arith.constant 3 : i32
    %swap3A_139 = arith.constant 256 : i32
    %swap3A_140 = arith.index_cast %swap3A_138 : i32 to index
    %swap3A_141 = arith.index_cast %swap3A_139 : i32 to index
    %swap3A_142 = arith.constant 32 : index
    %swap3A_143 = tpu.vector_load %arg3[%swap3A_140, %swap3A_141, %swap3A_142] {strides = array<i32>} : memref<4x257x128xbf16, #tpu.memory_space<vmem>>, vector<1x1x32xbf16>,
    %swap3A_144 = vector.shape_cast %swap3A_143 : vector<1x1x32xbf16> to vector<32xbf16>
    %swap3A_145 = vector.shape_cast %broadcast_in_dim3A_137 : vector<32xbf16> to vector<1x1x32xbf16>
    tpu.vector_store %arg3[%swap3A_140, %swap3A_141, %swap3A_142], %swap3A_145 {strides = array<i32>} : memref<4x257x128xbf16, #tpu.memory_space<vmem>>, vector<1x1x32xbf16>,
    %broadcast_in_dim3A_146 = arith.constant 0.000000e+00 : bf16
    %broadcast_in_dim3A_147 = vector.broadcast %broadcast_in_dim3A_146 : bf16 to vector<32xbf16>
    %swap3A_148 = arith.constant 3 : i32
    %swap3A_149 = arith.constant 256 : i32
    %swap3A_150 = arith.index_cast %swap3A_148 : i32 to index
    %swap3A_151 = arith.index_cast %swap3A_149 : i32 to index
    %swap3A_152 = arith.constant 64 : index
    %swap3A_153 = tpu.vector_load %arg3[%swap3A_150, %swap3A_151, %swap3A_152] {strides = array<i32>} : memref<4x257x128xbf16, #tpu.memory_space<vmem>>, vector<1x1x32xbf16>,
    %swap3A_154 = vector.shape_cast %swap3A_153 : vector<1x1x32xbf16> to vector<32xbf16>
    %swap3A_155 = vector.shape_cast %broadcast_in_dim3A_147 : vector<32xbf16> to vector<1x1x32xbf16>
    tpu.vector_store %arg3[%swap3A_150, %swap3A_151, %swap3A_152], %swap3A_155 {strides = array<i32>} : memref<4x257x128xbf16, #tpu.memory_space<vmem>>, vector<1x1x32xbf16>,
    %broadcast_in_dim3A_156 = arith.constant 0.000000e+00 : bf16
    %broadcast_in_dim3A_157 = vector.broadcast %broadcast_in_dim3A_156 : bf16 to vector<32xbf16>
    %swap3A_158 = arith.constant 3 : i32
    %swap3A_159 = arith.constant 256 : i32
    %swap3A_160 = arith.index_cast %swap3A_158 : i32 to index
    %swap3A_161 = arith.index_cast %swap3A_159 : i32 to index
    %swap3A_162 = arith.constant 96 : index
    %swap3A_163 = tpu.vector_load %arg3[%swap3A_160, %swap3A_161, %swap3A_162] {strides = array<i32>} : memref<4x257x128xbf16, #tpu.memory_space<vmem>>, vector<1x1x32xbf16>,
    %swap3A_164 = vector.shape_cast %swap3A_163 : vector<1x1x32xbf16> to vector<32xbf16>
    %swap3A_165 = vector.shape_cast %broadcast_in_dim3A_157 : vector<32xbf16> to vector<1x1x32xbf16>
    tpu.vector_store %arg3[%swap3A_160, %swap3A_161, %swap3A_162], %swap3A_165 {strides = array<i32>} : memref<4x257x128xbf16, #tpu.memory_space<vmem>>, vector<1x1x32xbf16>,
    %eq3A = arith.constant 0 : i32
    %eq3A_166 = arith.cmpi eq, %arg1, %eq3A : i32
    %convert_element_type3A = arith.extui %eq3A_166 : i1 to i32
    %cond3A = arith.constant 0 : i32
    %cond3A_167 = arith.cmpi ne, %convert_element_type3A, %cond3A : i32
    scf.if %cond3A_167 {
      "tpu.region"() ({
        %run_scoped3A = tpu.sem_alloc : memref<!tpu.dma_semaphore, #tpu.memory_space<semaphore_mem>>
        tpu.enqueue_dma source(%arg3 : memref<4x257x128xbf16, #tpu.memory_space<vmem>>) target(%arg4 : memref<4x257x128xbf16, #tpu.memory_space<vmem_shared>>) target_semaphore(%run_scoped3A : memref<!tpu.dma_semaphore, #tpu.memory_space<semaphore_mem>>)
        tpu.wait_dma2 semaphore(%run_scoped3A : memref<!tpu.dma_semaphore, #tpu.memory_space<semaphore_mem>>) src(%arg3 : memref<4x257x128xbf16, #tpu.memory_space<vmem>>) dst(%arg4 : memref<4x257x128xbf16, #tpu.memory_space<vmem_shared>>)
        tpu.yield
      }) : () -> ()
    } else {
    }
    %barrier3A = arith.constant 0 : index
    tpu.barrier barrier_id(%barrier3A)
    %dma_start3A = arith.constant 0 : i32
    %dma_start3A_168 = arith.constant 0 : i32
    %dma_start3A_169 = arith.constant 0 : i32
    %dma_start3A_170 = tpu.memref_slice %arg2[%add3A, %dma_start3A, %dma_start3A_168, %dma_start3A_169] : memref<32x32x257x128xbf16, #tpu.memory_space<hbm>> -> memref<1x4x257x128xbf16, #tpu.memory_space<hbm>>
    %dma_start3A_171 = tpu.memref_squeeze %dma_start3A_170 : memref<1x4x257x128xbf16, #tpu.memory_space<hbm>> -> memref<4x257x128xbf16, #tpu.memory_space<hbm>>
    tpu.enqueue_dma source(%arg4 : memref<4x257x128xbf16, #tpu.memory_space<vmem_shared>>) target(%dma_start3A_171 : memref<4x257x128xbf16, #tpu.memory_space<hbm>>) target_semaphore(%arg5 : memref<!tpu.dma_semaphore, #tpu.memory_space<semaphore_mem>>)
    %dma_start3A_172 = arith.constant 4 : i32
    %dma_start3A_173 = arith.constant 0 : i32
    %dma_start3A_174 = arith.constant 0 : i32
    %dma_start3A_175 = tpu.memref_slice %arg2[%add3A, %dma_start3A_172, %dma_start3A_173, %dma_start3A_174] : memref<32x32x257x128xbf16, #tpu.memory_space<hbm>> -> memref<1x4x257x128xbf16, #tpu.memory_space<hbm>>
    %dma_start3A_176 = tpu.memref_squeeze %dma_start3A_175 : memref<1x4x257x128xbf16, #tpu.memory_space<hbm>> -> memref<4x257x128xbf16, #tpu.memory_space<hbm>>
    tpu.enqueue_dma source(%arg4 : memref<4x257x128xbf16, #tpu.memory_space<vmem_shared>>) target(%dma_start3A_176 : memref<4x257x128xbf16, #tpu.memory_space<hbm>>) target_semaphore(%arg5 : memref<!tpu.dma_semaphore, #tpu.memory_space<semaphore_mem>>)
    %dma_start3A_177 = arith.constant 8 : i32
    %dma_start3A_178 = arith.constant 0 : i32
    %dma_start3A_179 = arith.constant 0 : i32
    %dma_start3A_180 = tpu.memref_slice %arg2[%add3A, %dma_start3A_177, %dma_start3A_178, %dma_start3A_179] : memref<32x32x257x128xbf16, #tpu.memory_space<hbm>> -> memref<1x4x257x128xbf16, #tpu.memory_space<hbm>>
    %dma_start3A_181 = tpu.memref_squeeze %dma_start3A_180 : memref<1x4x257x128xbf16, #tpu.memory_space<hbm>> -> memref<4x257x128xbf16, #tpu.memory_space<hbm>>
    tpu.enqueue_dma source(%arg4 : memref<4x257x128xbf16, #tpu.memory_space<vmem_shared>>) target(%dma_start3A_181 : memref<4x257x128xbf16, #tpu.memory_space<hbm>>) target_semaphore(%arg5 : memref<!tpu.dma_semaphore, #tpu.memory_space<semaphore_mem>>)
    %dma_start3A_182 = arith.constant 12 : i32
    %dma_start3A_183 = arith.constant 0 : i32
    %dma_start3A_184 = arith.constant 0 : i32
    %dma_start3A_185 = tpu.memref_slice %arg2[%add3A, %dma_start3A_182, %dma_start3A_183, %dma_start3A_184] : memref<32x32x257x128xbf16, #tpu.memory_space<hbm>> -> memref<1x4x257x128xbf16, #tpu.memory_space<hbm>>
    %dma_start3A_186 = tpu.memref_squeeze %dma_start3A_185 : memref<1x4x257x128xbf16, #tpu.memory_space<hbm>> -> memref<4x257x128xbf16, #tpu.memory_space<hbm>>
    tpu.enqueue_dma source(%arg4 : memref<4x257x128xbf16, #tpu.memory_space<vmem_shared>>) target(%dma_start3A_186 : memref<4x257x128xbf16, #tpu.memory_space<hbm>>) target_semaphore(%arg5 : memref<!tpu.dma_semaphore, #tpu.memory_space<semaphore_mem>>)
    %dma_start3A_187 = arith.constant 16 : i32
    %dma_start3A_188 = arith.constant 0 : i32
    %dma_start3A_189 = arith.constant 0 : i32
    %dma_start3A_190 = tpu.memref_slice %arg2[%add3A, %dma_start3A_187, %dma_start3A_188, %dma_start3A_189] : memref<32x32x257x128xbf16, #tpu.memory_space<hbm>> -> memref<1x4x257x128xbf16, #tpu.memory_space<hbm>>
    %dma_start3A_191 = tpu.memref_squeeze %dma_start3A_190 : memref<1x4x257x128xbf16, #tpu.memory_space<hbm>> -> memref<4x257x128xbf16, #tpu.memory_space<hbm>>
    tpu.enqueue_dma source(%arg4 : memref<4x257x128xbf16, #tpu.memory_space<vmem_shared>>) target(%dma_start3A_191 : memref<4x257x128xbf16, #tpu.memory_space<hbm>>) target_semaphore(%arg5 : memref<!tpu.dma_semaphore, #tpu.memory_space<semaphore_mem>>)
    %dma_start3A_192 = arith.constant 20 : i32
    %dma_start3A_193 = arith.constant 0 : i32
    %dma_start3A_194 = arith.constant 0 : i32
    %dma_start3A_195 = tpu.memref_slice %arg2[%add3A, %dma_start3A_192, %dma_start3A_193, %dma_start3A_194] : memref<32x32x257x128xbf16, #tpu.memory_space<hbm>> -> memref<1x4x257x128xbf16, #tpu.memory_space<hbm>>
    %dma_start3A_196 = tpu.memref_squeeze %dma_start3A_195 : memref<1x4x257x128xbf16, #tpu.memory_space<hbm>> -> memref<4x257x128xbf16, #tpu.memory_space<hbm>>
    tpu.enqueue_dma source(%arg4 : memref<4x257x128xbf16, #tpu.memory_space<vmem_shared>>) target(%dma_start3A_196 : memref<4x257x128xbf16, #tpu.memory_space<hbm>>) target_semaphore(%arg5 : memref<!tpu.dma_semaphore, #tpu.memory_space<semaphore_mem>>)
    %dma_start3A_197 = arith.constant 24 : i32
    %dma_start3A_198 = arith.constant 0 : i32
    %dma_start3A_199 = arith.constant 0 : i32
    %dma_start3A_200 = tpu.memref_slice %arg2[%add3A, %dma_start3A_197, %dma_start3A_198, %dma_start3A_199] : memref<32x32x257x128xbf16, #tpu.memory_space<hbm>> -> memref<1x4x257x128xbf16, #tpu.memory_space<hbm>>
    %dma_start3A_201 = tpu.memref_squeeze %dma_start3A_200 : memref<1x4x257x128xbf16, #tpu.memory_space<hbm>> -> memref<4x257x128xbf16, #tpu.memory_space<hbm>>
    tpu.enqueue_dma source(%arg4 : memref<4x257x128xbf16, #tpu.memory_space<vmem_shared>>) target(%dma_start3A_201 : memref<4x257x128xbf16, #tpu.memory_space<hbm>>) target_semaphore(%arg5 : memref<!tpu.dma_semaphore, #tpu.memory_space<semaphore_mem>>)
    %dma_start3A_202 = arith.constant 28 : i32
    %dma_start3A_203 = arith.constant 0 : i32
    %dma_start3A_204 = arith.constant 0 : i32
    %dma_start3A_205 = tpu.memref_slice %arg2[%add3A, %dma_start3A_202, %dma_start3A_203, %dma_start3A_204] : memref<32x32x257x128xbf16, #tpu.memory_space<hbm>> -> memref<1x4x257x128xbf16, #tpu.memory_space<hbm>>
    %dma_start3A_206 = tpu.memref_squeeze %dma_start3A_205 : memref<1x4x257x128xbf16, #tpu.memory_space<hbm>> -> memref<4x257x128xbf16, #tpu.memory_space<hbm>>
    tpu.enqueue_dma source(%arg4 : memref<4x257x128xbf16, #tpu.memory_space<vmem_shared>>) target(%dma_start3A_206 : memref<4x257x128xbf16, #tpu.memory_space<hbm>>) target_semaphore(%arg5 : memref<!tpu.dma_semaphore, #tpu.memory_space<semaphore_mem>>)
    %dma_wait3A = arith.constant 0 : i32
    %dma_wait3A_207 = arith.constant 0 : i32
    %dma_wait3A_208 = arith.constant 0 : i32
    %dma_wait3A_209 = tpu.memref_slice %arg2[%add3A, %dma_wait3A, %dma_wait3A_207, %dma_wait3A_208] : memref<32x32x257x128xbf16, #tpu.memory_space<hbm>> -> memref<1x4x257x128xbf16, #tpu.memory_space<hbm>>
    %dma_wait3A_210 = tpu.memref_squeeze %dma_wait3A_209 : memref<1x4x257x128xbf16, #tpu.memory_space<hbm>> -> memref<4x257x128xbf16, #tpu.memory_space<hbm>>
    tpu.wait_dma2 semaphore(%arg5 : memref<!tpu.dma_semaphore, #tpu.memory_space<semaphore_mem>>) src(%arg4 : memref<4x257x128xbf16, #tpu.memory_space<vmem_shared>>) dst(%dma_wait3A_210 : memref<4x257x128xbf16, #tpu.memory_space<hbm>>)
    %dma_wait3A_211 = arith.constant 4 : i32
    %dma_wait3A_212 = arith.constant 0 : i32
    %dma_wait3A_213 = arith.constant 0 : i32
    %dma_wait3A_214 = tpu.memref_slice %arg2[%add3A, %dma_wait3A_211, %dma_wait3A_212, %dma_wait3A_213] : memref<32x32x257x128xbf16, #tpu.memory_space<hbm>> -> memref<1x4x257x128xbf16, #tpu.memory_space<hbm>>
    %dma_wait3A_215 = tpu.memref_squeeze %dma_wait3A_214 : memref<1x4x257x128xbf16, #tpu.memory_space<hbm>> -> memref<4x257x128xbf16, #tpu.memory_space<hbm>>
    tpu.wait_dma2 semaphore(%arg5 : memref<!tpu.dma_semaphore, #tpu.memory_space<semaphore_mem>>) src(%arg4 : memref<4x257x128xbf16, #tpu.memory_space<vmem_shared>>) dst(%dma_wait3A_215 : memref<4x257x128xbf16, #tpu.memory_space<hbm>>)
    %dma_wait3A_216 = arith.constant 8 : i32
    %dma_wait3A_217 = arith.constant 0 : i32
    %dma_wait3A_218 = arith.constant 0 : i32
    %dma_wait3A_219 = tpu.memref_slice %arg2[%add3A, %dma_wait3A_216, %dma_wait3A_217, %dma_wait3A_218] : memref<32x32x257x128xbf16, #tpu.memory_space<hbm>> -> memref<1x4x257x128xbf16, #tpu.memory_space<hbm>>
    %dma_wait3A_220 = tpu.memref_squeeze %dma_wait3A_219 : memref<1x4x257x128xbf16, #tpu.memory_space<hbm>> -> memref<4x257x128xbf16, #tpu.memory_space<hbm>>
    tpu.wait_dma2 semaphore(%arg5 : memref<!tpu.dma_semaphore, #tpu.memory_space<semaphore_mem>>) src(%arg4 : memref<4x257x128xbf16, #tpu.memory_space<vmem_shared>>) dst(%dma_wait3A_220 : memref<4x257x128xbf16, #tpu.memory_space<hbm>>)
    %dma_wait3A_221 = arith.constant 12 : i32
    %dma_wait3A_222 = arith.constant 0 : i32
    %dma_wait3A_223 = arith.constant 0 : i32
    %dma_wait3A_224 = tpu.memref_slice %arg2[%add3A, %dma_wait3A_221, %dma_wait3A_222, %dma_wait3A_223] : memref<32x32x257x128xbf16, #tpu.memory_space<hbm>> -> memref<1x4x257x128xbf16, #tpu.memory_space<hbm>>
    %dma_wait3A_225 = tpu.memref_squeeze %dma_wait3A_224 : memref<1x4x257x128xbf16, #tpu.memory_space<hbm>> -> memref<4x257x128xbf16, #tpu.memory_space<hbm>>
    tpu.wait_dma2 semaphore(%arg5 : memref<!tpu.dma_semaphore, #tpu.memory_space<semaphore_mem>>) src(%arg4 : memref<4x257x128xbf16, #tpu.memory_space<vmem_shared>>) dst(%dma_wait3A_225 : memref<4x257x128xbf16, #tpu.memory_space<hbm>>)
    %dma_wait3A_226 = arith.constant 16 : i32
    %dma_wait3A_227 = arith.constant 0 : i32
    %dma_wait3A_228 = arith.constant 0 : i32
    %dma_wait3A_229 = tpu.memref_slice %arg2[%add3A, %dma_wait3A_226, %dma_wait3A_227, %dma_wait3A_228] : memref<32x32x257x128xbf16, #tpu.memory_space<hbm>> -> memref<1x4x257x128xbf16, #tpu.memory_space<hbm>>
    %dma_wait3A_230 = tpu.memref_squeeze %dma_wait3A_229 : memref<1x4x257x128xbf16, #tpu.memory_space<hbm>> -> memref<4x257x128xbf16, #tpu.memory_space<hbm>>
    tpu.wait_dma2 semaphore(%arg5 : memref<!tpu.dma_semaphore, #tpu.memory_space<semaphore_mem>>) src(%arg4 : memref<4x257x128xbf16, #tpu.memory_space<vmem_shared>>) dst(%dma_wait3A_230 : memref<4x257x128xbf16, #tpu.memory_space<hbm>>)
    %dma_wait3A_231 = arith.constant 20 : i32
    %dma_wait3A_232 = arith.constant 0 : i32
    %dma_wait3A_233 = arith.constant 0 : i32
    %dma_wait3A_234 = tpu.memref_slice %arg2[%add3A, %dma_wait3A_231, %dma_wait3A_232, %dma_wait3A_233] : memref<32x32x257x128xbf16, #tpu.memory_space<hbm>> -> memref<1x4x257x128xbf16, #tpu.memory_space<hbm>>
    %dma_wait3A_235 = tpu.memref_squeeze %dma_wait3A_234 : memref<1x4x257x128xbf16, #tpu.memory_space<hbm>> -> memref<4x257x128xbf16, #tpu.memory_space<hbm>>
    tpu.wait_dma2 semaphore(%arg5 : memref<!tpu.dma_semaphore, #tpu.memory_space<semaphore_mem>>) src(%arg4 : memref<4x257x128xbf16, #tpu.memory_space<vmem_shared>>) dst(%dma_wait3A_235 : memref<4x257x128xbf16, #tpu.memory_space<hbm>>)
    %dma_wait3A_236 = arith.constant 24 : i32
    %dma_wait3A_237 = arith.constant 0 : i32
    %dma_wait3A_238 = arith.constant 0 : i32
    %dma_wait3A_239 = tpu.memref_slice %arg2[%add3A, %dma_wait3A_236, %dma_wait3A_237, %dma_wait3A_238] : memref<32x32x257x128xbf16, #tpu.memory_space<hbm>> -> memref<1x4x257x128xbf16, #tpu.memory_space<hbm>>
    %dma_wait3A_240 = tpu.memref_squeeze %dma_wait3A_239 : memref<1x4x257x128xbf16, #tpu.memory_space<hbm>> -> memref<4x257x128xbf16, #tpu.memory_space<hbm>>
    tpu.wait_dma2 semaphore(%arg5 : memref<!tpu.dma_semaphore, #tpu.memory_space<semaphore_mem>>) src(%arg4 : memref<4x257x128xbf16, #tpu.memory_space<vmem_shared>>) dst(%dma_wait3A_240 : memref<4x257x128xbf16, #tpu.memory_space<hbm>>)
    %dma_wait3A_241 = arith.constant 28 : i32
    %dma_wait3A_242 = arith.constant 0 : i32
    %dma_wait3A_243 = arith.constant 0 : i32
    %dma_wait3A_244 = tpu.memref_slice %arg2[%add3A, %dma_wait3A_241, %dma_wait3A_242, %dma_wait3A_243] : memref<32x32x257x128xbf16, #tpu.memory_space<hbm>> -> memref<1x4x257x128xbf16, #tpu.memory_space<hbm>>
    %dma_wait3A_245 = tpu.memref_squeeze %dma_wait3A_244 : memref<1x4x257x128xbf16, #tpu.memory_space<hbm>> -> memref<4x257x128xbf16, #tpu.memory_space<hbm>>
    tpu.wait_dma2 semaphore(%arg5 : memref<!tpu.dma_semaphore, #tpu.memory_space<semaphore_mem>>) src(%arg4 : memref<4x257x128xbf16, #tpu.memory_space<vmem_shared>>) dst(%dma_wait3A_245 : memref<4x257x128xbf16, #tpu.memory_space<hbm>>)
    return
  }
}

module attributes {stable_mosaic.version = 14 : i64} {
  func.func @_v_kernel(%arg0: i32, %arg1: memref<32xi32, #tpu.memory_space<smem>>, %arg2: memref<2x32x8x128xbf16, #tpu.memory_space<vmem>>, %arg3: memref<2x32x257x128xbf16, #tpu.memory_space<vmem>>) attributes {dimension_semantics = [#tpu.dimension_semantics<arbitrary>], iteration_bounds = array<i64: 16>, scalar_prefetch = 1 : i64, scratch_operands = 0 : i64, tpu.core_type = #tpu.core_type<tc>, window_params = [{transform_indices = @transform_0, window_bounds = array<i64: 2, 32, 8, 128>}, {transform_indices = @transform_1, window_bounds = array<i64: 2, 32, 257, 128>}]} {
    %iota3A = tpu.iota {dimensions = array<i32: 2>} : vector<1x32x16x128xi32>
    %broadcast_in_dim3A = arith.constant 0.000000e+00 : bf16
    %broadcast_in_dim3A_0 = vector.broadcast %broadcast_in_dim3A : bf16 to vector<2x32x257x128xbf16>
    %swap3A = arith.constant 0 : index
    %swap3A_1 = arith.constant 0 : index
    %swap3A_2 = arith.constant 0 : index
    %swap3A_3 = arith.constant 0 : index
    %swap3A_4 = vector.load %arg3[%swap3A, %swap3A_1, %swap3A_2, %swap3A_3] : memref<2x32x257x128xbf16, #tpu.memory_space<vmem>>, vector<2x32x257x128xbf16>
    tpu.vector_store %arg3[%swap3A, %swap3A_1, %swap3A_2, %swap3A_3], %broadcast_in_dim3A_0 {strides = array<i32>} : memref<2x32x257x128xbf16, #tpu.memory_space<vmem>>, vector<2x32x257x128xbf16>,
    %mul3A = arith.constant 2 : i32
    %mul3A_5 = arith.muli %arg0, %mul3A : i32
    %add3A = arith.constant 0 : i32
    %add3A_6 = arith.addi %mul3A_5, %add3A : i32
    %get3A = arith.index_cast %add3A_6 : i32 to index
    %get3A_7 = memref.load %arg1[%get3A] : memref<32xi32, #tpu.memory_space<smem>>
    %jit3A = arith.constant 8 : i32
    %div3A = arith.divsi %get3A_7, %jit3A : i32
    %sign3A = arith.constant 0 : i32
    %sign3A_8 = arith.cmpi sgt, %get3A_7, %sign3A : i32
    %sign3A_9 = arith.extui %sign3A_8 : i1 to i32
    %sign3A_10 = arith.constant 0 : i32
    %sign3A_11 = arith.cmpi slt, %get3A_7, %sign3A_10 : i32
    %sign3A_12 = arith.extui %sign3A_11 : i1 to i32
    %sign3A_13 = arith.subi %sign3A_9, %sign3A_12 : i32
    %sign3A_14 = arith.constant 0 : i32
    %sign3A_15 = arith.cmpi sgt, %jit3A, %sign3A_14 : i32
    %sign3A_16 = arith.extui %sign3A_15 : i1 to i32
    %sign3A_17 = arith.constant 0 : i32
    %sign3A_18 = arith.cmpi slt, %jit3A, %sign3A_17 : i32
    %sign3A_19 = arith.extui %sign3A_18 : i1 to i32
    %sign3A_20 = arith.subi %sign3A_16, %sign3A_19 : i32
    %ne3A = arith.cmpi ne, %sign3A_13, %sign3A_20 : i32
    %rem3A = arith.remsi %get3A_7, %jit3A : i32
    %ne3A_21 = arith.constant 0 : i32
    %ne3A_22 = arith.cmpi ne, %rem3A, %ne3A_21 : i32
    %and3A = arith.andi %ne3A, %ne3A_22 : i1
    %sub3A = arith.constant 1 : i32
    %sub3A_23 = arith.subi %div3A, %sub3A : i32
    %select_n3A = arith.select %and3A, %sub3A_23, %div3A : i32
    %mul3A_24 = arith.constant 8 : i32
    %mul3A_25 = arith.muli %select_n3A, %mul3A_24 : i32
    %multiple_of3A = tpu.assume_multiple %mul3A_25, 8 : i32
    %jit3A_26 = arith.constant 8 : i32
    %div3A_27 = arith.divsi %get3A_7, %jit3A_26 : i32
    %sign3A_28 = arith.constant 0 : i32
    %sign3A_29 = arith.cmpi sgt, %get3A_7, %sign3A_28 : i32
    %sign3A_30 = arith.extui %sign3A_29 : i1 to i32
    %sign3A_31 = arith.constant 0 : i32
    %sign3A_32 = arith.cmpi slt, %get3A_7, %sign3A_31 : i32
    %sign3A_33 = arith.extui %sign3A_32 : i1 to i32
    %sign3A_34 = arith.subi %sign3A_30, %sign3A_33 : i32
    %sign3A_35 = arith.constant 0 : i32
    %sign3A_36 = arith.cmpi sgt, %jit3A_26, %sign3A_35 : i32
    %sign3A_37 = arith.extui %sign3A_36 : i1 to i32
    %sign3A_38 = arith.constant 0 : i32
    %sign3A_39 = arith.cmpi slt, %jit3A_26, %sign3A_38 : i32
    %sign3A_40 = arith.extui %sign3A_39 : i1 to i32
    %sign3A_41 = arith.subi %sign3A_37, %sign3A_40 : i32
    %ne3A_42 = arith.cmpi ne, %sign3A_34, %sign3A_41 : i32
    %rem3A_43 = arith.remsi %get3A_7, %jit3A_26 : i32
    %ne3A_44 = arith.constant 0 : i32
    %ne3A_45 = arith.cmpi ne, %rem3A_43, %ne3A_44 : i32
    %and3A_46 = arith.andi %ne3A_42, %ne3A_45 : i1
    %sub3A_47 = arith.constant 1 : i32
    %sub3A_48 = arith.subi %div3A_27, %sub3A_47 : i32
    %select_n3A_49 = arith.select %and3A_46, %sub3A_48, %div3A_27 : i32
    %mul3A_50 = arith.constant 8 : i32
    %mul3A_51 = arith.muli %select_n3A_49, %mul3A_50 : i32
    %sub3A_52 = arith.subi %get3A_7, %mul3A_51 : i32
    %ge3A = vector.broadcast %sub3A_52 : i32 to vector<1x32x16x128xi32>
    %ge3A_53 = arith.cmpi sge, %iota3A, %ge3A : vector<1x32x16x128xi32>
    %add3A_54 = arith.constant 8 : i32
    %add3A_55 = arith.addi %sub3A_52, %add3A_54 : i32
    %lt3A = vector.broadcast %add3A_55 : i32 to vector<1x32x16x128xi32>
    %lt3A_56 = arith.cmpi slt, %iota3A, %lt3A : vector<1x32x16x128xi32>
    %and3A_57 = arith.andi %ge3A_53, %lt3A_56 : vector<1x32x16x128xi1>
    %get3A_58 = arith.constant 0 : index
    %get3A_59 = arith.constant 0 : index
    %get3A_60 = arith.constant 0 : index
    %get3A_61 = arith.constant 0 : index
    %get3A_62 = vector.load %arg2[%get3A_58, %get3A_59, %get3A_60, %get3A_61] : memref<2x32x8x128xbf16, #tpu.memory_space<vmem>>, vector<1x32x8x128xbf16>
    %get3A_63 = arith.constant 0 : index
    %get3A_64 = arith.constant 0 : index
    %get3A_65 = arith.constant 0 : index
    %get3A_66 = arith.constant 0 : index
    %get3A_67 = vector.load %arg2[%get3A_63, %get3A_64, %get3A_65, %get3A_66] : memref<2x32x8x128xbf16, #tpu.memory_space<vmem>>, vector<1x32x8x128xbf16>
    %concatenate3A = tpu.concatenate %get3A_62, %get3A_67 in 2 : vector<1x32x8x128xbf16>, vector<1x32x8x128xbf16> -> vector<1x32x16x128xbf16>
    %convert_element_type3A = arith.extf %concatenate3A : vector<1x32x16x128xbf16> to vector<1x32x16x128xf32>
    %roll3A = tpu.dynamic_rotate %convert_element_type3A by %sub3A_52 dim 2 : vector<1x32x16x128xf32>, i32 -> vector<1x32x16x128xf32>
    %jit3A_68 = arith.constant 0.000000e+00 : f32
    %broadcast_in_dim3A_69 = vector.broadcast %jit3A_68 : f32 to vector<1x32x16x128xf32>
    %select_n3A_70 = arith.select %and3A_57, %roll3A, %broadcast_in_dim3A_69 : vector<1x32x16x128xi1>, vector<1x32x16x128xf32>
    %squeeze3A = vector.shape_cast %select_n3A_70 : vector<1x32x16x128xf32> to vector<32x16x128xf32>
    %convert_element_type3A_71 = arith.truncf %squeeze3A : vector<32x16x128xf32> to vector<32x16x128xbf16>
    %swap3A_72 = arith.constant 0 : index
    %swap3A_73 = arith.constant 0 : index
    %swap3A_74 = arith.index_cast %multiple_of3A : i32 to index
    %swap3A_75 = arith.constant 0 : index
    %swap3A_76 = vector.load %arg3[%swap3A_72, %swap3A_73, %swap3A_74, %swap3A_75] : memref<2x32x257x128xbf16, #tpu.memory_space<vmem>>, vector<1x32x16x128xbf16>
    %swap3A_77 = vector.shape_cast %swap3A_76 : vector<1x32x16x128xbf16> to vector<32x16x128xbf16>
    %swap3A_78 = vector.shape_cast %convert_element_type3A_71 : vector<32x16x128xbf16> to vector<1x32x16x128xbf16>
    tpu.vector_store %arg3[%swap3A_72, %swap3A_73, %swap3A_74, %swap3A_75], %swap3A_78 {strides = array<i32>} : memref<2x32x257x128xbf16, #tpu.memory_space<vmem>>, vector<1x32x16x128xbf16>,
    %mul3A_79 = arith.constant 2 : i32
    %mul3A_80 = arith.muli %arg0, %mul3A_79 : i32
    %add3A_81 = arith.constant 1 : i32
    %add3A_82 = arith.addi %mul3A_80, %add3A_81 : i32
    %get3A_83 = arith.index_cast %add3A_82 : i32 to index
    %get3A_84 = memref.load %arg1[%get3A_83] : memref<32xi32, #tpu.memory_space<smem>>
    %jit3A_85 = arith.constant 8 : i32
    %div3A_86 = arith.divsi %get3A_84, %jit3A_85 : i32
    %sign3A_87 = arith.constant 0 : i32
    %sign3A_88 = arith.cmpi sgt, %get3A_84, %sign3A_87 : i32
    %sign3A_89 = arith.extui %sign3A_88 : i1 to i32
    %sign3A_90 = arith.constant 0 : i32
    %sign3A_91 = arith.cmpi slt, %get3A_84, %sign3A_90 : i32
    %sign3A_92 = arith.extui %sign3A_91 : i1 to i32
    %sign3A_93 = arith.subi %sign3A_89, %sign3A_92 : i32
    %sign3A_94 = arith.constant 0 : i32
    %sign3A_95 = arith.cmpi sgt, %jit3A_85, %sign3A_94 : i32
    %sign3A_96 = arith.extui %sign3A_95 : i1 to i32
    %sign3A_97 = arith.constant 0 : i32
    %sign3A_98 = arith.cmpi slt, %jit3A_85, %sign3A_97 : i32
    %sign3A_99 = arith.extui %sign3A_98 : i1 to i32
    %sign3A_100 = arith.subi %sign3A_96, %sign3A_99 : i32
    %ne3A_101 = arith.cmpi ne, %sign3A_93, %sign3A_100 : i32
    %rem3A_102 = arith.remsi %get3A_84, %jit3A_85 : i32
    %ne3A_103 = arith.constant 0 : i32
    %ne3A_104 = arith.cmpi ne, %rem3A_102, %ne3A_103 : i32
    %and3A_105 = arith.andi %ne3A_101, %ne3A_104 : i1
    %sub3A_106 = arith.constant 1 : i32
    %sub3A_107 = arith.subi %div3A_86, %sub3A_106 : i32
    %select_n3A_108 = arith.select %and3A_105, %sub3A_107, %div3A_86 : i32
    %mul3A_109 = arith.constant 8 : i32
    %mul3A_110 = arith.muli %select_n3A_108, %mul3A_109 : i32
    %multiple_of3A_111 = tpu.assume_multiple %mul3A_110, 8 : i32
    %jit3A_112 = arith.constant 8 : i32
    %div3A_113 = arith.divsi %get3A_84, %jit3A_112 : i32
    %sign3A_114 = arith.constant 0 : i32
    %sign3A_115 = arith.cmpi sgt, %get3A_84, %sign3A_114 : i32
    %sign3A_116 = arith.extui %sign3A_115 : i1 to i32
    %sign3A_117 = arith.constant 0 : i32
    %sign3A_118 = arith.cmpi slt, %get3A_84, %sign3A_117 : i32
    %sign3A_119 = arith.extui %sign3A_118 : i1 to i32
    %sign3A_120 = arith.subi %sign3A_116, %sign3A_119 : i32
    %sign3A_121 = arith.constant 0 : i32
    %sign3A_122 = arith.cmpi sgt, %jit3A_112, %sign3A_121 : i32
    %sign3A_123 = arith.extui %sign3A_122 : i1 to i32
    %sign3A_124 = arith.constant 0 : i32
    %sign3A_125 = arith.cmpi slt, %jit3A_112, %sign3A_124 : i32
    %sign3A_126 = arith.extui %sign3A_125 : i1 to i32
    %sign3A_127 = arith.subi %sign3A_123, %sign3A_126 : i32
    %ne3A_128 = arith.cmpi ne, %sign3A_120, %sign3A_127 : i32
    %rem3A_129 = arith.remsi %get3A_84, %jit3A_112 : i32
    %ne3A_130 = arith.constant 0 : i32
    %ne3A_131 = arith.cmpi ne, %rem3A_129, %ne3A_130 : i32
    %and3A_132 = arith.andi %ne3A_128, %ne3A_131 : i1
    %sub3A_133 = arith.constant 1 : i32
    %sub3A_134 = arith.subi %div3A_113, %sub3A_133 : i32
    %select_n3A_135 = arith.select %and3A_132, %sub3A_134, %div3A_113 : i32
    %mul3A_136 = arith.constant 8 : i32
    %mul3A_137 = arith.muli %select_n3A_135, %mul3A_136 : i32
    %sub3A_138 = arith.subi %get3A_84, %mul3A_137 : i32
    %ge3A_139 = vector.broadcast %sub3A_138 : i32 to vector<1x32x16x128xi32>
    %ge3A_140 = arith.cmpi sge, %iota3A, %ge3A_139 : vector<1x32x16x128xi32>
    %add3A_141 = arith.constant 8 : i32
    %add3A_142 = arith.addi %sub3A_138, %add3A_141 : i32
    %lt3A_143 = vector.broadcast %add3A_142 : i32 to vector<1x32x16x128xi32>
    %lt3A_144 = arith.cmpi slt, %iota3A, %lt3A_143 : vector<1x32x16x128xi32>
    %and3A_145 = arith.andi %ge3A_140, %lt3A_144 : vector<1x32x16x128xi1>
    %get3A_146 = arith.constant 1 : index
    %get3A_147 = arith.constant 0 : index
    %get3A_148 = arith.constant 0 : index
    %get3A_149 = arith.constant 0 : index
    %get3A_150 = vector.load %arg2[%get3A_146, %get3A_147, %get3A_148, %get3A_149] : memref<2x32x8x128xbf16, #tpu.memory_space<vmem>>, vector<1x32x8x128xbf16>
    %get3A_151 = arith.constant 1 : index
    %get3A_152 = arith.constant 0 : index
    %get3A_153 = arith.constant 0 : index
    %get3A_154 = arith.constant 0 : index
    %get3A_155 = vector.load %arg2[%get3A_151, %get3A_152, %get3A_153, %get3A_154] : memref<2x32x8x128xbf16, #tpu.memory_space<vmem>>, vector<1x32x8x128xbf16>
    %concatenate3A_156 = tpu.concatenate %get3A_150, %get3A_155 in 2 : vector<1x32x8x128xbf16>, vector<1x32x8x128xbf16> -> vector<1x32x16x128xbf16>
    %convert_element_type3A_157 = arith.extf %concatenate3A_156 : vector<1x32x16x128xbf16> to vector<1x32x16x128xf32>
    %roll3A_158 = tpu.dynamic_rotate %convert_element_type3A_157 by %sub3A_138 dim 2 : vector<1x32x16x128xf32>, i32 -> vector<1x32x16x128xf32>
    %jit3A_159 = arith.constant 0.000000e+00 : f32
    %broadcast_in_dim3A_160 = vector.broadcast %jit3A_159 : f32 to vector<1x32x16x128xf32>
    %select_n3A_161 = arith.select %and3A_145, %roll3A_158, %broadcast_in_dim3A_160 : vector<1x32x16x128xi1>, vector<1x32x16x128xf32>
    %squeeze3A_162 = vector.shape_cast %select_n3A_161 : vector<1x32x16x128xf32> to vector<32x16x128xf32>
    %convert_element_type3A_163 = arith.truncf %squeeze3A_162 : vector<32x16x128xf32> to vector<32x16x128xbf16>
    %swap3A_164 = arith.constant 1 : index
    %swap3A_165 = arith.constant 0 : index
    %swap3A_166 = arith.index_cast %multiple_of3A_111 : i32 to index
    %swap3A_167 = arith.constant 0 : index
    %swap3A_168 = vector.load %arg3[%swap3A_164, %swap3A_165, %swap3A_166, %swap3A_167] : memref<2x32x257x128xbf16, #tpu.memory_space<vmem>>, vector<1x32x16x128xbf16>
    %swap3A_169 = vector.shape_cast %swap3A_168 : vector<1x32x16x128xbf16> to vector<32x16x128xbf16>
    %swap3A_170 = vector.shape_cast %convert_element_type3A_163 : vector<32x16x128xbf16> to vector<1x32x16x128xbf16>
    tpu.vector_store %arg3[%swap3A_164, %swap3A_165, %swap3A_166, %swap3A_167], %swap3A_170 {strides = array<i32>} : memref<2x32x257x128xbf16, #tpu.memory_space<vmem>>, vector<1x32x16x128xbf16>,
    return
  }
  func.func @transform_0(%arg0: i32, %arg1: memref<32xi32, #tpu.memory_space<smem>>) -> (i32, i32, i32, i32) {
    %c0_i32 = arith.constant 0 : i32
    %c0_i32_0 = arith.constant 0 : i32
    %c0_i32_1 = arith.constant 0 : i32
    %c0_i32_2 = arith.constant 0 : i32
    return %arg0, %c0_i32, %c0_i32_0, %c0_i32_1 : i32, i32, i32, i32
  }
  func.func @transform_1(%arg0: i32, %arg1: memref<32xi32, #tpu.memory_space<smem>>) -> (i32, i32, i32, i32) {
    %c0_i32 = arith.constant 0 : i32
    %c0_i32_0 = arith.constant 0 : i32
    %c0_i32_1 = arith.constant 0 : i32
    %c0_i32_2 = arith.constant 0 : i32
    return %arg0, %c0_i32, %c0_i32_0, %c0_i32_1 : i32, i32, i32, i32
  }
}

</mosaic_0001>

<sc_bundles>
// kernel: kernel.4.cloned.1.call-start
scs
__scs_entry_jumppad:
0x0: {  	(pc) =	sbr.rel $0x88, $3  }
0x1: {  	(tag) =	ssettag $0x0;
	lr =	simm.s32 $0x1  }
0x2: {  	[smem:$0x3F9E] =	sst lr;
	_ =	strace $0xD0000000  }
0x3: {  	_ = 	snop  }
0x4: {  	_ = 	snop  }
0x5: {  	_ = 	snop  }
0x6: {  	_ = 	snop  }
0x7: {  	_ = 	snop  }
__scs_overlays_trampoline_lowered:
0x8: {  	[smem:$0x3FAD] =	sst s0  }
0x9: {  	[smem:$0x3FAE] =	sst s1  }
0xa: {  	[smem:$0x3FAF] =	sst s2  }
0xb: {  	[smem:$0x3FB0] =	sst s3  }
0xc: {  	[smem:$0x3FB1] =	sst s4  }
0xd: {  	[smem:$0x3FB2] =	sst s5  }
0xe: {  	[smem:$0x3FB3] =	sst s6  }
0xf: {  	[smem:$0x3FB4] =	sst s7  }
0x10: {  	[smem:$0x3FB5] =	sst s8  }
0x11: {  	[smem:$0x3FB6] =	sst s9;
	s0 =	simm.s32 @!p0 $0x0  }
0x12: {  	s1 =	sld [smem:$0x3F9C];
	s0 =	simm.s32 @p0 $0x1  }
0x13: {  	[smem:$0x3FB7] =	sst s0;
	s0 =	simm.s32 @!p1 $0x0  }
0x14: {  	s2 =	sld [smem:$0x3F9B];
	s0 =	simm.s32 @p1 $0x1  }
0x15: {  	[smem:$0x3FB8] =	sst s0;
	s0 =	simm.s32 @!p2 $0x0  }
0x16: {  	s3 =	sld [smem:$0x3FDB];
	s0 =	simm.s32 @p2 $0x1  }
0x17: {  	s4 =	simm.s32 $0x1BF5;
	[smem:$0x3FBA] =	sst s0  }
0x18: {  	s0 =	sld [smem:$0x3F9D];
	_ =	swait.ge [sflag:s4], $0x0  }
0x19: {  	s7 =	sld [smem:$0x3F9E]  }
0x1a: {  	s8 =	sadd.s32 $0xFFFFE003, lr  }
0x1b: {  	s9 =	sadd.s32 $0xFFFFFEF7, lr;
	s5 =	simm.s32 $0xFFFFFFFF;
	p2 =	slt.u32 s8, $0xFFFFF086  }
0x1c: {  	p1 =	slt.u32 s9, $0xF7A;
	s5 =	simm.s32 @!p2 $0x0  }
0x1d: {  	s5 =	simm.s32 @p1 $0x1;
	p0 =	seq.s32 s7, s2  }
0x1e: {  	s7 =	smul.u32 @!p0 $0xF7A, s2;
	p2 =	seq.s32 @!p0 s5, $0x0  }
0x1f: {  	s9 =	smul.u32 $0xF7A, s1;
	s8 =	simm.s32 @!p0 $0x1BF5;
	p2 =	por !p2, p0  }
0x20: {  	[sflag:s8] =	ssyncset.s32 @!p0 $0xFFFFF086;
	s6 =	sadd.s32 @!p0 s3, s7;
	s7 =	simm.s32 @!p0 $0x108  }
0x21: {  	s3 =	sadd.s32 s3, s9;
	s6 =	sadd.s32 @!p0 $0x88, s6;
	s7 =	simm.s32 @p2 $0x1082  }
0x22: {  	[simem:s7], [sflag:s8] =	dma.local @!p0 [hbm:s6], $0xF7A  }
0x23: {  	s9 =	sor.u32 $0xD0000000, s2;
	s6 =	simm.s32 $0x108;
	_ =	swait.ge @!p0 [sflag:s8], $0x0  }
0x24: {  	s3 =	sadd.s32 $0x88, s3;
	s6 =	simm.s32 @!p1 $0x1082;
	[sflag:s4] =	ssyncset.s32 $0xFFFFF086  }
0x25: {  	[simem:s6], [sflag:s4] =	dma.local [hbm:s3], $0xF7A  }
0x26: {  	[smem:$0x3F9E] =	sst s1;
	(tag) =	ssettag s2;
	_ =	strace s9  }
0x27: {  	s1 =	sld [smem:$0x3FAE]  }
0x28: {  	s2 =	sld [smem:$0x3FAF]  }
0x29: {  	s4 =	sld [smem:$0x3FB1]  }
0x2a: {  	p0 =	seq.s32 s5, $0x0;
	s5 =	sld [smem:$0x3FB2]  }
0x2b: {  	s6 =	sld [smem:$0x3FB3]  }
0x2c: {  	s7 =	sld [smem:$0x3FB4]  }
0x2d: {  	s3 =	simm.s32 $0x108;
	s8 =	sld [smem:$0x3FB5]  }
0x2e: {  	s3 =	simm.s32 @!p0 $0x1082;
	s9 =	sld [smem:$0x3FB6]  }
0x2f: {  	lr =	sadd.s32 s0, s3;
	s0 =	sld [smem:$0x3FAD]  }
0x30: {  	s3 =	sld [smem:$0x3FB0]  }
0x31: {  	[smem:$0x3FB9] =	sst s10  }
0x32: {  	s10 =	sld [smem:$0x3FB7];
	_ =	sdelay $0x3  }
0x33: {  	p0 =	seq.s32 s10, $0x1;
	s10 =	sld [smem:$0x3FB9];
	_ =	sdelay $0x3  }
0x34: {  	[smem:$0x3FB9] =	sst s10  }
0x35: {  	s10 =	sld [smem:$0x3FB8];
	_ =	sdelay $0x3  }
0x36: {  	p1 =	seq.s32 s10, $0x1;
	s10 =	sld [smem:$0x3FB9];
	_ =	sdelay $0x3  }
0x37: {  	[smem:$0x3FB9] =	sst s10  }
0x38: {  	s10 =	sld [smem:$0x3FBA]  }
0x39: {  	_ = 	snop;
	(pc) =	sbr.ind lr, $3  }
0x3a: {  	_ = 	snop  }
0x3b: {  	_ = 	snop  }
0x3c: {  	p2 =	seq.s32 s10, $0x1;
	s10 =	sld [smem:$0x3FB9]  }
0x3d: {  	_ =	shalt  }
0x3e: {  	_ =	shalt  }
0x3f: {  	_ =	shalt  }
0x40: {  	_ =	shalt  }
0x41: {  	_ =	shalt  }
0x42: {  	_ =	shalt  }
0x43: {  	_ =	shalt  }
0x44: {  	_ =	shalt  }
0x45: {  	_ =	shalt  }
0x46: {  	_ =	shalt  }
0x47: {  	_ =	shalt  }
0x48: {  	_ =	shalt  }
0x49: {  	_ =	shalt  }
0x4a: {  	_ =	shalt  }
0x4b: {  	_ =	shalt  }
0x4c: {  	_ =	shalt  }
0x4d: {  	_ =	shalt  }
0x4e: {  	_ =	shalt  }
0x4f: {  	_ =	shalt  }
0x50: {  	_ =	shalt  }
0x51: {  	_ =	shalt  }
0x52: {  	_ =	shalt  }
0x53: {  	_ =	shalt  }
0x54: {  	_ =	shalt  }
0x55: {  	_ =	shalt  }
0x56: {  	_ =	shalt  }
0x57: {  	_ =	shalt  }
0x58: {  	_ =	shalt  }
0x59: {  	_ =	shalt  }
0x5a: {  	_ =	shalt  }
0x5b: {  	_ =	shalt  }
0x5c: {  	_ =	shalt  }
0x5d: {  	_ =	shalt  }
0x5e: {  	_ =	shalt  }
0x5f: {  	_ =	shalt  }
0x60: {  	_ =	shalt  }
0x61: {  	_ =	shalt  }
0x62: {  	_ =	shalt  }
0x63: {  	_ =	shalt  }
0x64: {  	_ =	shalt  }
0x65: {  	_ =	shalt  }
0x66: {  	_ =	shalt  }
0x67: {  	_ =	shalt  }
0x68: {  	_ =	shalt  }
0x69: {  	_ =	shalt  }
0x6a: {  	_ =	shalt  }
0x6b: {  	_ =	shalt  }
0x6c: {  	_ =	shalt  }
0x6d: {  	_ =	shalt  }
0x6e: {  	_ =	shalt  }
0x6f: {  	_ =	shalt  }
0x70: {  	_ =	shalt  }
0x71: {  	_ =	shalt  }
0x72: {  	_ =	shalt  }
0x73: {  	_ =	shalt  }
0x74: {  	_ =	shalt  }
0x75: {  	_ =	shalt  }
0x76: {  	_ =	shalt  }
0x77: {  	_ =	shalt  }
0x78: {  	_ =	shalt  }
0x79: {  	_ =	shalt  }
0x7a: {  	_ =	shalt  }
0x7b: {  	_ =	shalt  }
0x7c: {  	_ =	shalt  }
0x7d: {  	_ =	shalt  }
0x7e: {  	_ =	shalt  }
0x7f: {  	_ =	shalt  }
0x80: {  	_ =	shalt  }
0x81: {  	_ =	shalt  }
0x82: {  	_ =	shalt  }
0x83: {  	_ =	shalt  }
0x84: {  	_ =	shalt  }
0x85: {  	_ =	shalt  }
0x86: {  	_ =	shalt  }
0x87: {  	_ =	shalt  }
.Lfunc_end0:
.L_simem_size_0:
called_computation_lowered:
.L_overlay_start_0:
0x88: {  	s2 =	sld [smem:$0x3FD9]  }
0x89: {  	s3 =	sld [smem:$0x3FFE];
	_ =	sdelay $0x1  }
0x8a: {  	s1 =	srdreg.scid  }
0x8b: {  	s0 =	sand.u32 $0x1, s1  }
0x8c: {  	s16 =	sshll.u32 s0, $0xA;
	s2 =	sadd.s32 s3, s2  }
0x8d: {  	s2 =	sadd.s32 s2, s16  }
0x8e: {  	[smem:$0x3FC5] =	sst s2  }
0x8f: {  	_ = 	snop  }
0x90: {  	(tm) =	ssettm $0x1  }
0x91: {  	s17 =	sld [smem:$0x3FFB];
	_ =	sdelay $0x3  }
0x92: {  	_ =	strace s17  }
0x93: {  	s2 =	sld [smem:$0x3FFC];
	_ =	sdelay $0x3  }
0x94: {  	_ =	strace s2  }
0x95: {  	s2 =	sld [smem:$0x3FFD];
	_ =	sdelay $0x3  }
0x96: {  	_ =	strace s2  }
0x97: {  	_ =	strace $0x8FFFFFFF  }
0x98: {  	s18 =	sld [smem:$0x3FDB];
	_ =	sdelay $0x1  }
0x99: {  	s19 =	simm.s32 $_scs_section_size  }
0x9a: {  	s4 =	simm.s32 $_size__tile_overlayer_lowered;
	s5 =	simm.s32 $_tile_overlayer_lowered  }
0x9b: {  	s22 =	simm.s32 $0x1BFF;
	s21 =	sshll.u32 s5, $0x1;
	s2 =	sadd.s32 s19, s18  }
0x9c: {  	s6 =	simm.s32 $0x0;
	s20 =	sshll.u32 s4, $0x1;
	s4 =	sadd.s32 s21, s2  }
0x9d: {  	[timem:s6], [sflag:s22] =	dma.local [hbm:s4], s20  }
0x9e: {  	_ =	swait.ge [sflag:s22], s20  }
0x9f: {  	s3 =	ssub.s32 $0x0, s20;
	[sflag:s22] =	ssyncset.done $0x0  }
0xa0: {  	[sflag:s22] =	ssyncadd.s32 s3;
	_ =	sdelay $0x1  }
0xa1: {  	s23 =	simm.s32 $0x1B8B  }
0xa2: {  	_ =	swait.ge [sflag:s23], $0x1  }
0xa3: {  	[sflag:s23] =	ssyncset.done $0x0  }
0xa4: {  	s25 =	simm.s32 $0x1B8E;
	s24 =	sld [smem:$0x3FFE];
	[sflag:s23] =	ssyncadd.s32 $0xFFFFFFFF  }
0xa5: {  	s26 =	simm.s32 $execute0_lowered;
	[smem:$0x3FD2] =	sst s25  }
0xa6: {  	s4 =	sshll.u32 s26, $0x1;
	_ =	strace $0x80000046;
	[dreg:$0x1] =	wrdreg $0xFFFFFFFF  }
0xa7: {  	s28 =	simm.s32 $_size_execute0_lowered;
	s2 =	sadd.s32 s2, s4;
	[dreg:$0x0] =	wrdreg $0x0  }
0xa8: {  	s4 =	sshll.u32 s28, $0x1;
	[dreg:$0x2] =	wrdreg s2  }
0xa9: {  	[dreg:$0x3] =	wrdreg s4  }
0xaa: {  	[dreg:$0x4] =	wrdreg $0xC0  }
0xab: {  	_ =	task [dreg:s6], $0x5FFFF  }
0xac: {  	[dreg:$0x1] =	wrdreg $0xFFFFFFFF  }
0xad: {  	[dreg:$0x0] =	wrdreg $0x60  }
0xae: {  	[dreg:$0x2] =	wrdreg s24  }
0xaf: {  	[dreg:$0x3] =	wrdreg $0x108000  }
0xb0: {  	[dreg:$0x4] =	wrdreg $0x9  }
0xb1: {  	_ =	task.clear_ibuf [dreg:s6], $0x5FFFF;
	_ =	strace $0x90000046  }
0xb2: {  	s29 =	simm.s32 $0x9;
	_ =	strace $0x80000048  }
0xb3: {  	_ =	swait.ge [sflag:s29], $0x1  }
0xb4: {  	[sflag:s29] =	ssyncadd.s32 $0xFFFFFFFF  }
0xb5: {  	_ =	strace $0x90000048  }
0xb6: {  	_ =	sfence  }
0xb7: {  	s30 =	sld [smem:$0x0];
	_ =	sdelay $0x2  }
0xb8: {  	s31 =	sshll.u32 s1, $0xD;
	s1 =	sshrl.u32 s1, $0x2  }
0xb9: {  	s3 =	sand.u32 $0x4000, s31;
	s1 =	sadd.s32 s1, s30  }
0xba: {  	s0 =	sor.u32 s3, s0;
	s1 =	sshll.u32 s1, $0x11  }
0xbb: {  	s0 =	sor.u32 s1, s0  }
0xbc: {  	s0 =	sadd.s32 $0x8F2B, s0  }
0xbd: {  	[sflag:s0] =	ssyncadd.remote.s32 $0x1  }
0xbe: {  	_ =	sfence.sel $0xFFFF  }
0xbf: {  	[dreg:$0x0] =	wrdreg $0xFFFFFFFF;
	(pc) =	sbr.abs _section_cstart, $3  }
0xc0: {  	[dreg:$0x1] =	wrdreg $0xFFFFFFFF  }
0xc1: {  	_ =	task.clear_ibuf [dreg:s6], $0x2FFFF;
	_ =	strace $0x9FFFFFFF  }
0xc2: {  	(tm) =	ssettm $0x7FFFFFFF  }
0xc3: {  	_ =	shalt  }
tec
execute0_lowered:
.L_overlay_start_1:
0x0: {  	(tag) =	ssettag $0x1  }
0x1: {  	s0 =	srdreg.scid;
	s4 =	rddreg [dreg:$0x0]  }
0x2: {  	s12 =	stileid.u32;
	s1 =	rddreg [dreg:$0x1];
	s2 =	simm.s32 $0x0  }
0x3: {  	s14 =	simm.s32 $0x1;
	s3 =	sand.u32 $0x1, s0;
	s31 =	sshll.u32 s12, $0x1  }
0x4: {  	s15 =	simm.s32 $0x0;
	[smem:$0x7FF] =	sst s2;
	s0 =	sor.u32 s3, s31  }
0x5: {  	s13 =	sshll.u32 s12, $0x6;
	p0 =	sne.s32 s12, $0x0;
	s5 =	smul.u32 $0x108000, s0  }
0x6: {  	s3 =	ssub.s32 $0x2, s3;
	s12 =	sor.u32 $0x1C01, s13;
	s13 =	sshrl.u32 s1, $0x3  }
0x7: {  	s0 =	rddreg [dreg:$0x2];
	s6 =	sshrl.u32 s3, $0x1;
	s5 =	sshrl.u32 s5, $0x4  }
0x8: {  	_ =	strace $0x80000047;
	s11 =	ssub.s32 s3, s6;
	s10 =	sadd.s32 s5, s4  }
0x9: {  	s11 =	smax.u32 s11, $0x1;
	s3 =	sadd.s32 $0xA00, s10;
	s4 =	sadd.s32 $0x2B00, s10  }
0xa: {  	s5 =	sadd.s32 $0x4C00, s10;
	s6 =	sadd.s32 $0x6D00, s10;
	s7 =	sadd.s32 $0x8E00, s10  }
0xb: {  	v0 =	vimm.bf16 $0.0e+00;
	s8 =	sadd.s32 $0xAF00, s10;
	s9 =	sadd.s32 $0xD000, s10;
	s10 =	sadd.s32 $0xF100, s10  }
.LBB2_1:
0xc: {  	s16 =	simm.s32 $0x40  }
0xd: {  	[tilespmem:s16+$0xFFFFFFC0] =	vst v0  }
0xe: {  	[tilespmem:s16+$0xFFFFFFD0] =	vst v0  }
0xf: {  	[tilespmem:s16+$0xFFFFFFE0] =	vst v0  }
0x10: {  	[tilespmem:s16+$0xFFFFFFF0] =	vst v0  }
0x11: {  	[tilespmem:s16+$0x0] =	vst v0  }
0x12: {  	s18 =	sand.u32 $0x7C00, s2;
	s19 =	simm.s32 $0x0;
	s17 =	simm.s32 $0x100;
	[tilespmem:s16+$0x10] =	vst v0  }
.LBB2_2:
0x13: {  	p1 =	sne.s32 s17, $0x7F00;
	[tilespmem:s16+$0x20] =	vst v0;
	s18 =	sshrl.u32 s18, $0x1;
	s19 =	sand.u32 $0x180, s19  }
0x14: {  	[tilespmem:s16+$0x30] =	vst v0;
	s18 =	sor.u32 s19, s18  }
0x15: {  	[tilespmem:s18+$0xC670] =	vst v0  }
0x16: {  	[tilespmem:s18+$0x4200] =	vst v0  }
0x17: {  	[tilespmem:s18+$0x4210] =	vst v0  }
0x18: {  	[tilespmem:s18+$0x4220] =	vst v0  }
0x19: {  	[tilespmem:s18+$0x4230] =	vst v0  }
0x1a: {  	[tilespmem:s18+$0x4240] =	vst v0  }
0x1b: {  	[tilespmem:s18+$0xC620] =	vst v0  }
0x1c: {  	[tilespmem:s18+$0xC660] =	vst v0  }
0x1d: {  	[tilespmem:s18+$0xC650] =	vst v0  }
0x1e: {  	[tilespmem:s18+$0xC640] =	vst v0  }
0x1f: {  	[tilespmem:s18+$0xC630] =	vst v0  }
0x20: {  	[tilespmem:s18+$0xC610] =	vst v0  }
0x21: {  	[tilespmem:s18+$0xC600] =	vst v0  }
0x22: {  	[tilespmem:s18+$0x8470] =	vst v0  }
0x23: {  	[tilespmem:s18+$0x8460] =	vst v0  }
0x24: {  	[tilespmem:s18+$0x8450] =	vst v0  }
0x25: {  	[tilespmem:s18+$0x8440] =	vst v0  }
0x26: {  	[tilespmem:s18+$0x8430] =	vst v0  }
0x27: {  	[tilespmem:s18+$0x8420] =	vst v0  }
0x28: {  	[tilespmem:s18+$0x8410] =	vst v0  }
0x29: {  	[tilespmem:s18+$0x8400] =	vst v0  }
0x2a: {  	[tilespmem:s18+$0x4270] =	vst v0  }
0x2b: {  	[tilespmem:s18+$0x4260] =	vst v0  }
0x2c: {  	s16 =	sadd.s32 $0x80, s16;
	[tilespmem:s18+$0x4250] =	vst v0  }
0x2d: {  	[tilespmem:s16+$0xFFFFFFC0] =	vst v0  }
.Ltmp0:
0x2e: {  	[tilespmem:s16+$0xFFFFFFD0] =	vst v0;
	(pc) =	sbr.rel @p1 .LBB2_2-.Ltmp0, $4  }
0x2f: {  	[tilespmem:s16+$0xFFFFFFE0] =	vst v0  }
0x30: {  	[tilespmem:s16+$0xFFFFFFF0] =	vst v0  }
0x31: {  	[tilespmem:s16+$0x0] =	vst v0  }
0x32: {  	s19 =	sshrl.u32 s17, $0x1;
	s18 =	sand.u32 $0x7C00, s17;
	s17 =	sadd.s32 $0x100, s17;
	[tilespmem:s16+$0x10] =	vst v0  }
0x33: {  	[tilespmem:s16+$0x20] =	vst v0;
	s17 =	sshrl.u32 s18, $0x1;
	s30 =	sand.u32 $0x180, s19  }
0x34: {  	[tilespmem:s16+$0x30] =	vst v0;
	s31 =	sor.u32 s30, s17  }
0x35: {  	[tilespmem:s31+$0xC670] =	vst v0  }
0x36: {  	[tilespmem:s31+$0x4200] =	vst v0  }
0x37: {  	[tilespmem:s31+$0x4210] =	vst v0  }
0x38: {  	[tilespmem:s31+$0x4220] =	vst v0  }
0x39: {  	[tilespmem:s31+$0x4230] =	vst v0  }
0x3a: {  	[tilespmem:s31+$0x4240] =	vst v0  }
0x3b: {  	[tilespmem:s31+$0xC620] =	vst v0  }
0x3c: {  	[tilespmem:s31+$0xC660] =	vst v0  }
0x3d: {  	[tilespmem:s31+$0xC650] =	vst v0  }
0x3e: {  	[tilespmem:s31+$0xC640] =	vst v0  }
0x3f: {  	[tilespmem:s31+$0xC630] =	vst v0  }
0x40: {  	[tilespmem:s31+$0xC610] =	vst v0  }
0x41: {  	[tilespmem:s31+$0xC600] =	vst v0  }
0x42: {  	[tilespmem:s31+$0x8470] =	vst v0  }
0x43: {  	[tilespmem:s31+$0x8460] =	vst v0  }
0x44: {  	[tilespmem:s31+$0x8450] =	vst v0  }
0x45: {  	[tilespmem:s31+$0x8440] =	vst v0  }
0x46: {  	[tilespmem:s31+$0x8430] =	vst v0  }
0x47: {  	[tilespmem:s31+$0x8420] =	vst v0  }
0x48: {  	[tilespmem:s31+$0x8410] =	vst v0  }
0x49: {  	[tilespmem:s31+$0x8400] =	vst v0  }
0x4a: {  	[tilespmem:s31+$0x4270] =	vst v0  }
0x4b: {  	[tilespmem:s31+$0x4260] =	vst v0  }
0x4c: {  	[tilespmem:s31+$0x4250] =	vst v0  }
0x4d: {  	[tilespmem:$0x4000] =	vst v0  }
0x4e: {  	[tilespmem:$0x4010] =	vst v0  }
0x4f: {  	[tilespmem:$0x4020] =	vst v0  }
0x50: {  	[tilespmem:$0x4030] =	vst v0  }
0x51: {  	[tilespmem:$0x4040] =	vst v0  }
0x52: {  	[tilespmem:$0x4050] =	vst v0  }
0x53: {  	[tilespmem:$0x4060] =	vst v0  }
0x54: {  	[tilespmem:$0x4070] =	vst v0  }
0x55: {  	[tilespmem:$0x8200] =	vst v0  }
0x56: {  	[tilespmem:$0x8210] =	vst v0  }
0x57: {  	[tilespmem:$0x8220] =	vst v0  }
0x58: {  	[tilespmem:$0x8230] =	vst v0  }
0x59: {  	[tilespmem:$0x8240] =	vst v0  }
0x5a: {  	[tilespmem:$0x8250] =	vst v0  }
0x5b: {  	[tilespmem:$0x8260] =	vst v0  }
0x5c: {  	[tilespmem:$0x8270] =	vst v0  }
0x5d: {  	[tilespmem:$0xC400] =	vst v0  }
0x5e: {  	[tilespmem:$0xC410] =	vst v0  }
0x5f: {  	[tilespmem:$0xC420] =	vst v0  }
0x60: {  	[tilespmem:$0xC430] =	vst v0  }
0x61: {  	[tilespmem:$0xC440] =	vst v0  }
0x62: {  	[tilespmem:$0xC450] =	vst v0  }
0x63: {  	[tilespmem:$0xC460] =	vst v0  }
0x64: {  	[tilespmem:$0xC470] =	vst v0  }
0x65: {  	[tilespmem:$0x10600] =	vst v0  }
0x66: {  	[tilespmem:$0x10610] =	vst v0  }
0x67: {  	[tilespmem:$0x10620] =	vst v0  }
0x68: {  	[tilespmem:$0x10630] =	vst v0  }
0x69: {  	[tilespmem:$0x10640] =	vst v0  }
0x6a: {  	[tilespmem:$0x10650] =	vst v0  }
0x6b: {  	[tilespmem:$0x10660] =	vst v0  }
0x6c: {  	s16 =	simm.s32 @!p0 $0x0;
	[tilespmem:$0x10670] =	vst v0  }
0x6d: {  	[spmem:s1] =	stream.linear.scatter @!p0 [tilespmem:s16], [sflag:$0x2], $0x10800, $0x38;
	[tilespmem:$0x11810] =	vst v63  }
0x6e: {  	s16 =	simm.s32 @!p0 $0x2  }
0x6f: {  	_ =	swait.ge @!p0 [sflag:s16], $0x10800  }
0x70: {  	[sflag:s16] =	ssyncset.done @!p0 $0x0  }
0x71: {  	[sflag:s16] =	ssyncadd.s32 @!p0 $0xFFFEF800  }
0x72: {  	[bflag:$0x0] =	sbarrier.arrive $0xFFFF  }
0x73: {  	[hbm:s3], [sflag:s12] =	dma.local [spmem:s13], $0x2100  }
0x74: {  	[hbm:s4], [sflag:s12] =	dma.local [spmem:s13], $0x2100  }
0x75: {  	[hbm:s5], [sflag:s12] =	dma.local [spmem:s13], $0x2100  }
0x76: {  	[hbm:s6], [sflag:s12] =	dma.local [spmem:s13], $0x2100  }
0x77: {  	[hbm:s7], [sflag:s12] =	dma.local [spmem:s13], $0x2100  }
0x78: {  	[hbm:s8], [sflag:s12] =	dma.local [spmem:s13], $0x2100  }
0x79: {  	[hbm:s9], [sflag:s12] =	dma.local [spmem:s13], $0x2100  }
0x7a: {  	[hbm:s10], [sflag:s12] =	dma.local [spmem:s13], $0x2100  }
0x7b: {  	_ =	swait.ge [sflag:s14], $0x2100  }
0x7c: {  	[sflag:s14] =	ssyncset.done $0x0  }
0x7d: {  	[sflag:s14] =	ssyncadd.s32 $0xFFFFDF00  }
0x7e: {  	_ =	swait.ge [sflag:s14], $0x2100  }
0x7f: {  	[sflag:s14] =	ssyncset.done $0x0  }
0x80: {  	[sflag:s14] =	ssyncadd.s32 $0xFFFFDF00  }
0x81: {  	_ =	swait.ge [sflag:s14], $0x2100  }
0x82: {  	[sflag:s14] =	ssyncset.done $0x0  }
0x83: {  	[sflag:s14] =	ssyncadd.s32 $0xFFFFDF00  }
0x84: {  	_ =	swait.ge [sflag:s14], $0x2100  }
0x85: {  	[sflag:s14] =	ssyncset.done $0x0  }
0x86: {  	[sflag:s14] =	ssyncadd.s32 $0xFFFFDF00  }
0x87: {  	_ =	swait.ge [sflag:s14], $0x2100  }
0x88: {  	[sflag:s14] =	ssyncset.done $0x0  }
0x89: {  	[sflag:s14] =	ssyncadd.s32 $0xFFFFDF00  }
0x8a: {  	_ =	swait.ge [sflag:s14], $0x2100  }
0x8b: {  	[sflag:s14] =	ssyncset.done $0x0  }
0x8c: {  	s15 =	sadd.s32 $0x1, s15;
	[sflag:s14] =	ssyncadd.s32 $0xFFFFDF00  }
0x8d: {  	p1 =	sne.s32 s15, s11;
	_ =	swait.ge [sflag:s14], $0x2100  }
.Ltmp1:
0x8e: {  	[sflag:s14] =	ssyncset.done $0x0;
	(pc) =	sbr.rel @p1 .LBB2_1-.Ltmp1, $4  }
0x8f: {  	[sflag:s14] =	ssyncadd.s32 $0xFFFFDF00  }
0x90: {  	_ =	swait.ge [sflag:s14], $0x2100  }
0x91: {  	[sflag:s14] =	ssyncset.done $0x0  }
0x92: {  	[sflag:s14] =	ssyncadd.s32 $0xFFFFDF00  }
0x93: {  	_ =	sfence.sel $0x180000  }
0x94: {  	[bflag:$0x0] =	sbarrier.arrive $0xFFFF  }
0x95: {  	_ =	strace $0x90000047  }
0x96: {  	s0 =	sadd.s32 @!p0 $0x100000, s0;
	[bflag:$0x2] =	sbarrier.arrive $0xFFFF  }
0x97: {  	[sflag:s0] =	ssyncadd.tile.s32 @!p0 $0x1;
	_ =	shalt  }
.Lfunc_end2:
_tile_overlayer_lowered:
.L_overlay_start_2:
0x98: {  	(tag) =	ssettag $0x2  }
0x99: {  	s0 =	rddreg [dreg:$0x0];
	s2 =	stileid.u32  }
0x9a: {  	s1 =	rddreg [dreg:$0x1];
	p0 =	sne.s32 s2, $0x0  }
0x9b: {  	s3 =	rddreg [dreg:$0x2];
	[bflag:$0x3] =	sbarrier.arrive $0xFFFF;
	s2 =	simm.s32 @!p0 $0x1C02  }
0x9c: {  	[timem:s3], [sflag:s2] =	dma.local @!p0 [hbm:s0], s1  }
0x9d: {  	s0 =	simm.s32 @!p0 $0x2  }
0x9e: {  	_ =	swait.ge @!p0 [sflag:s0], s1  }
0x9f: {  	s1 =	ssub.s32 @!p0 $0x0, s1;
	[sflag:s0] =	ssyncset.done @!p0 $0x0  }
0xa0: {  	[sflag:s0] =	ssyncadd.s32 @!p0 s1  }
0xa1: {  	[bflag:$0x3] =	sbarrier.arrive $0xFFFF  }
0xa2: {  	_ =	shalt  }

</sc_bundles>
